<compile_context>
chip_gen: v7x
topology: tpu7x:2x2x1
jax: 0.10.2.dev20260603
libtpu: 0.0.44.dev20260713+nightly
codegen_flags: <defaults>
</compile_context>

<pallas_src>
import functools

import jax
import jax.numpy as jnp
from jax import lax
from jax.experimental import pallas as pl
from jax.experimental.pallas import tpu as pltpu
from jax.experimental.pallas import tpu_sc as plsc

VOCAB = 128
EMBED = 32
NC = 2
NS = 16
NW = NC * NS
BLK = 1024
DTILE = 8
UNIT_OUT = BLK * DTILE


@functools.cache
def _build(n_idx):
    n_units = (n_idx // BLK) * (EMBED // DTILE)
    u_per_w = n_units // NW

    mesh = plsc.VectorSubcoreMesh(core_axis_name="c", subcore_axis_name="s")

    @functools.partial(
        pl.kernel,
        mesh=mesh,
        out_type=jax.ShapeDtypeStruct((n_idx * EMBED,), jnp.float32),
        scratch_types=[
            pltpu.VMEM((VOCAB * EMBED,), jnp.float32),
            pltpu.VMEM((2 * BLK,), jnp.int32),
            pltpu.VMEM((2 * UNIT_OUT,), jnp.float32),
            pltpu.SemaphoreType.DMA,
            pltpu.SemaphoreType.DMA,
        ],
        compiler_params=pltpu.CompilerParams(
            use_tc_tiling_on_sc=False, needs_layout_passes=False),
    )
    def emb(idx_hbm, table_hbm, out_hbm, table_v, idx_v, out_v, idx_sem,
            out_sem):
        wid = lax.axis_index("s") * NC + lax.axis_index("c")
        base = wid * u_per_w
        pltpu.sync_copy(table_hbm, table_v)

        def idx_copy(u, buf):
            return pltpu.make_async_copy(
                idx_hbm.at[pl.ds((u >> 2) * BLK, BLK)],
                idx_v.at[pl.ds(buf * BLK, BLK)], idx_sem)

        def out_copy(u, buf):
            return pltpu.make_async_copy(
                out_v.at[pl.ds(buf * UNIT_OUT, UNIT_OUT)],
                out_hbm.at[pl.ds(u * UNIT_OUT, UNIT_OUT)], out_sem)

        def compute(u, p):
            d_base = (u & 3) * DTILE

            @plsc.parallel_loop(0, BLK // 16, unroll=4)
            def group(g):
                iv = idx_v[pl.ds(p * BLK + g * 16, 16)] + d_base * VOCAB
                boff = p * UNIT_OUT + (g >> 3) * 1024 + (g & 7) * 16
                vals = [
                    plsc.load_gather(table_v, [iv + ds * VOCAB])
                    for ds in range(DTILE)
                ]
                for ds in range(DTILE):
                    out_v[pl.ds(boff + ds * 128, 16)] = vals[ds]

        idx_copy(base, 0).start()
        idx_copy(base, 0).wait()
        idx_copy(base + 1, 1).start()
        compute(base, 0)
        out_copy(base, 0).start()
        idx_copy(base + 1, 1).wait()
        idx_copy(base + 2, 0).start()
        compute(base + 1, 1)
        out_copy(base + 1, 1).start()

        def step(j, c):
            u = base + j
            p = j & 1
            idx_copy(u, p).wait()
            idx_copy(u + 1, 1 - p).start()
            out_copy(u - 2, p).wait()
            compute(u, p)
            out_copy(u, p).start()
            return c

        lax.fori_loop(2, u_per_w - 1, step, 0)

        u = base + u_per_w - 1
        p = (u_per_w - 1) & 1
        idx_copy(u, p).wait()
        out_copy(u - 2, p).wait()
        compute(u, p)
        out_copy(u, p).start()
        out_copy(u - 1, 1 - p).wait()
        out_copy(u, p).wait()

    return emb


def kernel(inputs, table):
    NB, NT, NCH = inputs.shape
    idx = jnp.transpose(inputs, (1, 2, 0)).reshape(-1).astype(jnp.int32)
    flat = _build(idx.shape[0])(idx, jnp.transpose(table).reshape(-1))
    out = (
        flat.reshape(NT, NCH, EMBED // 8, NB // 128, 8, 128)
        .transpose(3, 5, 0, 1, 2, 4)
        .reshape(NB, NT, NCH, EMBED)
    )
    return out

# --- scband reference (transcript-rebuilt; emitter-appended) ---
"""Pipeline reference for scband-character-embedding-24790551232842 (READ-ONLY COPY).

The authoritative reference and input builder live on the scoring server;
editing this copy changes nothing except your own understanding.
"""

import jax, jax.numpy as jnp
import numpy as np

VOCAB = 128
EMBED_DIM = 32

def setup_inputs(seed: int = 0) -> dict:
    key = jax.random.key(seed)
    k1, k2 = jax.random.split(key)
    inputs = jax.random.randint(k1, (1024, 50, 20), 0, VOCAB, dtype=jnp.int64 if jax.config.jax_enable_x64 else jnp.int32)
    # Embedding table initialized with RandomUniform(-0.5, 0.5) as in the Keras layer
    table = jax.random.uniform(k2, (VOCAB, EMBED_DIM), dtype=jnp.float32, minval=-0.5, maxval=0.5)
    return {"inputs": inputs, "table": table}

def reference(inputs, table):
    # TimeDistributed(Embedding) is equivalent to a plain embedding lookup applied
    # over the leading (batch, time) dims: output[b, t, c, :] = table[inputs[b, t, c]]
    embedded_chars = jnp.take(table, inputs, axis=0)
    return embedded_chars

if __name__ == "__main__":
    import jax
    _d = setup_inputs()
    print(jax.jit(kernel)(*tuple(_d.values())))

</pallas_src>

<mosaic_0001>
#map = affine_map<(d0, d1) -> (0)>
module attributes {stable_mosaic.version = 14 : i64} {
  func.func @emb(%arg0: i32, %arg1: i32, %arg2: memref<1024000xi32, #tpu.memory_space<hbm>>, %arg3: memref<4096xf32, #tpu.memory_space<hbm>>, %arg4: memref<32768000xf32, #tpu.memory_space<hbm>>, %arg5: memref<4096xf32, #tpu.memory_space<vmem>>, %arg6: memref<2048xi32, #tpu.memory_space<vmem>>, %arg7: memref<16384xf32, #tpu.memory_space<vmem>>, %arg8: memref<!tpu.dma_semaphore, #tpu.memory_space<semaphore_mem>>, %arg9: memref<!tpu.dma_semaphore, #tpu.memory_space<semaphore_mem>>) attributes {dimension_semantics = [#tpu.dimension_semantics<core_parallel>, #tpu.dimension_semantics<subcore_parallel>], iteration_bounds = array<i64: 2, 16>, scalar_prefetch = 0 : i64, scratch_operands = 5 : i64, tpu.core_type = #tpu.core_type<sc_vector_subcore>, window_params = [{transform_indices = #map}, {transform_indices = #map}, {transform_indices = #map}]} {
    %mul3A = arith.constant 2 : i32
    %mul3A_0 = arith.muli %arg1, %mul3A : i32
    %add3A = arith.addi %mul3A_0, %arg0 : i32
    %mul3A_1 = arith.constant 125 : i32
    %mul3A_2 = arith.muli %add3A, %mul3A_1 : i32
    "tpu.region"() ({
      %run_scoped3A = tpu.sem_alloc : memref<!tpu.dma_semaphore, #tpu.memory_space<semaphore_mem>>
      tpu.enqueue_dma source(%arg3 : memref<4096xf32, #tpu.memory_space<hbm>>) target(%arg5 : memref<4096xf32, #tpu.memory_space<vmem>>) target_semaphore(%run_scoped3A : memref<!tpu.dma_semaphore, #tpu.memory_space<semaphore_mem>>)
      tpu.wait_dma2 semaphore(%run_scoped3A : memref<!tpu.dma_semaphore, #tpu.memory_space<semaphore_mem>>) src(%arg3 : memref<4096xf32, #tpu.memory_space<hbm>>) dst(%arg5 : memref<4096xf32, #tpu.memory_space<vmem>>)
      tpu.yield
    }) : () -> ()
    %shift_right_arithmetic3A = arith.constant 2 : i32
    %shift_right_arithmetic3A_3 = arith.shrsi %mul3A_2, %shift_right_arithmetic3A : i32
    %mul3A_4 = arith.constant 1024 : i32
    %mul3A_5 = arith.muli %shift_right_arithmetic3A_3, %mul3A_4 : i32
    %dma_start3A = arith.constant 0 : i32
    %dma_start3A_6 = tpu.memref_slice %arg6[%dma_start3A] : memref<2048xi32, #tpu.memory_space<vmem>> -> memref<1024xi32, #tpu.memory_space<vmem>>
    %dma_start3A_7 = tpu.memref_slice %arg2[%mul3A_5] : memref<1024000xi32, #tpu.memory_space<hbm>> -> memref<1024xi32, #tpu.memory_space<hbm>>
    %dma_start3A_8 = arith.constant 0 : i32
    %dma_start3A_9 = tpu.memref_slice %arg6[%dma_start3A_8] : memref<2048xi32, #tpu.memory_space<vmem>> -> memref<1024xi32, #tpu.memory_space<vmem>>
    %dma_start3A_10 = tpu.memref_slice %arg2[%mul3A_5] : memref<1024000xi32, #tpu.memory_space<hbm>> -> memref<1024xi32, #tpu.memory_space<hbm>>
    tpu.enqueue_dma source(%dma_start3A_10 : memref<1024xi32, #tpu.memory_space<hbm>>) target(%dma_start3A_9 : memref<1024xi32, #tpu.memory_space<vmem>>) target_semaphore(%arg8 : memref<!tpu.dma_semaphore, #tpu.memory_space<semaphore_mem>>)
    %shift_right_arithmetic3A_11 = arith.constant 2 : i32
    %shift_right_arithmetic3A_12 = arith.shrsi %mul3A_2, %shift_right_arithmetic3A_11 : i32
    %mul3A_13 = arith.constant 1024 : i32
    %mul3A_14 = arith.muli %shift_right_arithmetic3A_12, %mul3A_13 : i32
    %dma_wait3A = arith.constant 0 : i32
    %dma_wait3A_15 = tpu.memref_slice %arg6[%dma_wait3A] : memref<2048xi32, #tpu.memory_space<vmem>> -> memref<1024xi32, #tpu.memory_space<vmem>>
    %dma_wait3A_16 = tpu.memref_slice %arg2[%mul3A_14] : memref<1024000xi32, #tpu.memory_space<hbm>> -> memref<1024xi32, #tpu.memory_space<hbm>>
    %dma_wait3A_17 = arith.constant 0 : i32
    %dma_wait3A_18 = tpu.memref_slice %arg6[%dma_wait3A_17] : memref<2048xi32, #tpu.memory_space<vmem>> -> memref<1024xi32, #tpu.memory_space<vmem>>
    %dma_wait3A_19 = tpu.memref_slice %arg2[%mul3A_14] : memref<1024000xi32, #tpu.memory_space<hbm>> -> memref<1024xi32, #tpu.memory_space<hbm>>
    tpu.wait_dma2 semaphore(%arg8 : memref<!tpu.dma_semaphore, #tpu.memory_space<semaphore_mem>>) src(%dma_wait3A_19 : memref<1024xi32, #tpu.memory_space<hbm>>) dst(%dma_wait3A_18 : memref<1024xi32, #tpu.memory_space<vmem>>)
    %add3A_20 = arith.constant 1 : i32
    %add3A_21 = arith.addi %mul3A_2, %add3A_20 : i32
    %shift_right_arithmetic3A_22 = arith.constant 2 : i32
    %shift_right_arithmetic3A_23 = arith.shrsi %add3A_21, %shift_right_arithmetic3A_22 : i32
    %mul3A_24 = arith.constant 1024 : i32
    %mul3A_25 = arith.muli %shift_right_arithmetic3A_23, %mul3A_24 : i32
    %dma_start3A_26 = arith.constant 1024 : i32
    %dma_start3A_27 = tpu.memref_slice %arg6[%dma_start3A_26] : memref<2048xi32, #tpu.memory_space<vmem>> -> memref<1024xi32, #tpu.memory_space<vmem>>
    %dma_start3A_28 = tpu.memref_slice %arg2[%mul3A_25] : memref<1024000xi32, #tpu.memory_space<hbm>> -> memref<1024xi32, #tpu.memory_space<hbm>>
    %dma_start3A_29 = arith.constant 1024 : i32
    %dma_start3A_30 = tpu.memref_slice %arg6[%dma_start3A_29] : memref<2048xi32, #tpu.memory_space<vmem>> -> memref<1024xi32, #tpu.memory_space<vmem>>
    %dma_start3A_31 = tpu.memref_slice %arg2[%mul3A_25] : memref<1024000xi32, #tpu.memory_space<hbm>> -> memref<1024xi32, #tpu.memory_space<hbm>>
    tpu.enqueue_dma source(%dma_start3A_31 : memref<1024xi32, #tpu.memory_space<hbm>>) target(%dma_start3A_30 : memref<1024xi32, #tpu.memory_space<vmem>>) target_semaphore(%arg8 : memref<!tpu.dma_semaphore, #tpu.memory_space<semaphore_mem>>)
    %and3A = arith.constant 3 : i32
    %and3A_32 = arith.andi %mul3A_2, %and3A : i32
    %mul3A_33 = arith.constant 8 : i32
    %mul3A_34 = arith.muli %and3A_32, %mul3A_33 : i32
    %parallel_loop3A = arith.constant 0 : i32
    %parallel_loop3A_35 = arith.constant 64 : i32
    %parallel_loop3A_36 = arith.constant 1 : i32
    scf.for %parallel_loop3A_149 = %parallel_loop3A to %parallel_loop3A_35 step %parallel_loop3A_36  : i32 {
      %parallel_loop3A_150 = arith.constant 16 : i32
      %parallel_loop3A_151 = arith.muli %parallel_loop3A_149, %parallel_loop3A_150 : i32
      %parallel_loop3A_152 = arith.constant 0 : i32
      %parallel_loop3A_153 = arith.addi %parallel_loop3A_152, %parallel_loop3A_151 : i32
      %parallel_loop3A_154 = arith.index_cast %parallel_loop3A_153 : i32 to index
      %parallel_loop3A_155 = tpu.vector_load %arg6[%parallel_loop3A_154] {strides = array<i32>} : memref<2048xi32, #tpu.memory_space<vmem>>, vector<16xi32>,
      %parallel_loop3A_156 = arith.constant 128 : i32
      %parallel_loop3A_157 = arith.muli %mul3A_34, %parallel_loop3A_156 : i32
      %parallel_loop3A_158 = vector.broadcast %parallel_loop3A_157 : i32 to vector<16xi32>
      %parallel_loop3A_159 = arith.addi %parallel_loop3A_155, %parallel_loop3A_158 : vector<16xi32>
      %parallel_loop3A_160 = arith.constant 3 : i32
      %parallel_loop3A_161 = arith.shrsi %parallel_loop3A_149, %parallel_loop3A_160 : i32
      %parallel_loop3A_162 = arith.constant 1024 : i32
      %parallel_loop3A_163 = arith.muli %parallel_loop3A_161, %parallel_loop3A_162 : i32
      %parallel_loop3A_164 = arith.constant 0 : i32
      %parallel_loop3A_165 = arith.addi %parallel_loop3A_164, %parallel_loop3A_163 : i32
      %parallel_loop3A_166 = arith.constant 7 : i32
      %parallel_loop3A_167 = arith.andi %parallel_loop3A_149, %parallel_loop3A_166 : i32
      %parallel_loop3A_168 = arith.constant 16 : i32
      %parallel_loop3A_169 = arith.muli %parallel_loop3A_167, %parallel_loop3A_168 : i32
      %parallel_loop3A_170 = arith.addi %parallel_loop3A_165, %parallel_loop3A_169 : i32
      %parallel_loop3A_171 = arith.constant 0 : i32
      %parallel_loop3A_172 = vector.broadcast %parallel_loop3A_171 : i32 to vector<16xi32>
      %parallel_loop3A_173 = arith.addi %parallel_loop3A_159, %parallel_loop3A_172 : vector<16xi32>
      %parallel_loop3A_174 = tpu.vector_load_idx %arg5[%parallel_loop3A_173] : memref<4096xf32, #tpu.memory_space<vmem>>[vector<16xi32>], vector<16xf32>,
      %parallel_loop3A_175 = arith.constant 128 : i32
      %parallel_loop3A_176 = vector.broadcast %parallel_loop3A_175 : i32 to vector<16xi32>
      %parallel_loop3A_177 = arith.addi %parallel_loop3A_159, %parallel_loop3A_176 : vector<16xi32>
      %parallel_loop3A_178 = tpu.vector_load_idx %arg5[%parallel_loop3A_177] : memref<4096xf32, #tpu.memory_space<vmem>>[vector<16xi32>], vector<16xf32>,
      %parallel_loop3A_179 = arith.constant 256 : i32
      %parallel_loop3A_180 = vector.broadcast %parallel_loop3A_179 : i32 to vector<16xi32>
      %parallel_loop3A_181 = arith.addi %parallel_loop3A_159, %parallel_loop3A_180 : vector<16xi32>
      %parallel_loop3A_182 = tpu.vector_load_idx %arg5[%parallel_loop3A_181] : memref<4096xf32, #tpu.memory_space<vmem>>[vector<16xi32>], vector<16xf32>,
      %parallel_loop3A_183 = arith.constant 384 : i32
      %parallel_loop3A_184 = vector.broadcast %parallel_loop3A_183 : i32 to vector<16xi32>
      %parallel_loop3A_185 = arith.addi %parallel_loop3A_159, %parallel_loop3A_184 : vector<16xi32>
      %parallel_loop3A_186 = tpu.vector_load_idx %arg5[%parallel_loop3A_185] : memref<4096xf32, #tpu.memory_space<vmem>>[vector<16xi32>], vector<16xf32>,
      %parallel_loop3A_187 = arith.constant 512 : i32
      %parallel_loop3A_188 = vector.broadcast %parallel_loop3A_187 : i32 to vector<16xi32>
      %parallel_loop3A_189 = arith.addi %parallel_loop3A_159, %parallel_loop3A_188 : vector<16xi32>
      %parallel_loop3A_190 = tpu.vector_load_idx %arg5[%parallel_loop3A_189] : memref<4096xf32, #tpu.memory_space<vmem>>[vector<16xi32>], vector<16xf32>,
      %parallel_loop3A_191 = arith.constant 640 : i32
      %parallel_loop3A_192 = vector.broadcast %parallel_loop3A_191 : i32 to vector<16xi32>
      %parallel_loop3A_193 = arith.addi %parallel_loop3A_159, %parallel_loop3A_192 : vector<16xi32>
      %parallel_loop3A_194 = tpu.vector_load_idx %arg5[%parallel_loop3A_193] : memref<4096xf32, #tpu.memory_space<vmem>>[vector<16xi32>], vector<16xf32>,
      %parallel_loop3A_195 = arith.constant 768 : i32
      %parallel_loop3A_196 = vector.broadcast %parallel_loop3A_195 : i32 to vector<16xi32>
      %parallel_loop3A_197 = arith.addi %parallel_loop3A_159, %parallel_loop3A_196 : vector<16xi32>
      %parallel_loop3A_198 = tpu.vector_load_idx %arg5[%parallel_loop3A_197] : memref<4096xf32, #tpu.memory_space<vmem>>[vector<16xi32>], vector<16xf32>,
      %parallel_loop3A_199 = arith.constant 896 : i32
      %parallel_loop3A_200 = vector.broadcast %parallel_loop3A_199 : i32 to vector<16xi32>
      %parallel_loop3A_201 = arith.addi %parallel_loop3A_159, %parallel_loop3A_200 : vector<16xi32>
      %parallel_loop3A_202 = tpu.vector_load_idx %arg5[%parallel_loop3A_201] : memref<4096xf32, #tpu.memory_space<vmem>>[vector<16xi32>], vector<16xf32>,
      %parallel_loop3A_203 = arith.constant 0 : i32
      %parallel_loop3A_204 = arith.addi %parallel_loop3A_170, %parallel_loop3A_203 : i32
      %parallel_loop3A_205 = arith.index_cast %parallel_loop3A_204 : i32 to index
      %parallel_loop3A_206 = tpu.vector_load %arg7[%parallel_loop3A_205] {strides = array<i32>} : memref<16384xf32, #tpu.memory_space<vmem>>, vector<16xf32>,
      tpu.vector_store %arg7[%parallel_loop3A_205], %parallel_loop3A_174 {strides = array<i32>} : memref<16384xf32, #tpu.memory_space<vmem>>, vector<16xf32>,
      %parallel_loop3A_207 = arith.constant 128 : i32
      %parallel_loop3A_208 = arith.addi %parallel_loop3A_170, %parallel_loop3A_207 : i32
      %parallel_loop3A_209 = arith.index_cast %parallel_loop3A_208 : i32 to index
      %parallel_loop3A_210 = tpu.vector_load %arg7[%parallel_loop3A_209] {strides = array<i32>} : memref<16384xf32, #tpu.memory_space<vmem>>, vector<16xf32>,
      tpu.vector_store %arg7[%parallel_loop3A_209], %parallel_loop3A_178 {strides = array<i32>} : memref<16384xf32, #tpu.memory_space<vmem>>, vector<16xf32>,
      %parallel_loop3A_211 = arith.constant 256 : i32
      %parallel_loop3A_212 = arith.addi %parallel_loop3A_170, %parallel_loop3A_211 : i32
      %parallel_loop3A_213 = arith.index_cast %parallel_loop3A_212 : i32 to index
      %parallel_loop3A_214 = tpu.vector_load %arg7[%parallel_loop3A_213] {strides = array<i32>} : memref<16384xf32, #tpu.memory_space<vmem>>, vector<16xf32>,
      tpu.vector_store %arg7[%parallel_loop3A_213], %parallel_loop3A_182 {strides = array<i32>} : memref<16384xf32, #tpu.memory_space<vmem>>, vector<16xf32>,
      %parallel_loop3A_215 = arith.constant 384 : i32
      %parallel_loop3A_216 = arith.addi %parallel_loop3A_170, %parallel_loop3A_215 : i32
      %parallel_loop3A_217 = arith.index_cast %parallel_loop3A_216 : i32 to index
      %parallel_loop3A_218 = tpu.vector_load %arg7[%parallel_loop3A_217] {strides = array<i32>} : memref<16384xf32, #tpu.memory_space<vmem>>, vector<16xf32>,
      tpu.vector_store %arg7[%parallel_loop3A_217], %parallel_loop3A_186 {strides = array<i32>} : memref<16384xf32, #tpu.memory_space<vmem>>, vector<16xf32>,
      %parallel_loop3A_219 = arith.constant 512 : i32
      %parallel_loop3A_220 = arith.addi %parallel_loop3A_170, %parallel_loop3A_219 : i32
      %parallel_loop3A_221 = arith.index_cast %parallel_loop3A_220 : i32 to index
      %parallel_loop3A_222 = tpu.vector_load %arg7[%parallel_loop3A_221] {strides = array<i32>} : memref<16384xf32, #tpu.memory_space<vmem>>, vector<16xf32>,
      tpu.vector_store %arg7[%parallel_loop3A_221], %parallel_loop3A_190 {strides = array<i32>} : memref<16384xf32, #tpu.memory_space<vmem>>, vector<16xf32>,
      %parallel_loop3A_223 = arith.constant 640 : i32
      %parallel_loop3A_224 = arith.addi %parallel_loop3A_170, %parallel_loop3A_223 : i32
      %parallel_loop3A_225 = arith.index_cast %parallel_loop3A_224 : i32 to index
      %parallel_loop3A_226 = tpu.vector_load %arg7[%parallel_loop3A_225] {strides = array<i32>} : memref<16384xf32, #tpu.memory_space<vmem>>, vector<16xf32>,
      tpu.vector_store %arg7[%parallel_loop3A_225], %parallel_loop3A_194 {strides = array<i32>} : memref<16384xf32, #tpu.memory_space<vmem>>, vector<16xf32>,
      %parallel_loop3A_227 = arith.constant 768 : i32
      %parallel_loop3A_228 = arith.addi %parallel_loop3A_170, %parallel_loop3A_227 : i32
      %parallel_loop3A_229 = arith.index_cast %parallel_loop3A_228 : i32 to index
      %parallel_loop3A_230 = tpu.vector_load %arg7[%parallel_loop3A_229] {strides = array<i32>} : memref<16384xf32, #tpu.memory_space<vmem>>, vector<16xf32>,
      tpu.vector_store %arg7[%parallel_loop3A_229], %parallel_loop3A_198 {strides = array<i32>} : memref<16384xf32, #tpu.memory_space<vmem>>, vector<16xf32>,
      %parallel_loop3A_231 = arith.constant 896 : i32
      %parallel_loop3A_232 = arith.addi %parallel_loop3A_170, %parallel_loop3A_231 : i32
      %parallel_loop3A_233 = arith.index_cast %parallel_loop3A_232 : i32 to index
      %parallel_loop3A_234 = tpu.vector_load %arg7[%parallel_loop3A_233] {strides = array<i32>} : memref<16384xf32, #tpu.memory_space<vmem>>, vector<16xf32>,
      tpu.vector_store %arg7[%parallel_loop3A_233], %parallel_loop3A_202 {strides = array<i32>} : memref<16384xf32, #tpu.memory_space<vmem>>, vector<16xf32>,
    } {sc.loop_unroll_factor = 4 : i64, sc.parallel_access}
    %mul3A_37 = arith.constant 8192 : i32
    %mul3A_38 = arith.muli %mul3A_2, %mul3A_37 : i32
    %dma_start3A_39 = arith.constant 0 : i32
    %dma_start3A_40 = tpu.memref_slice %arg7[%dma_start3A_39] : memref<16384xf32, #tpu.memory_space<vmem>> -> memref<8192xf32, #tpu.memory_space<vmem>>
    %dma_start3A_41 = tpu.memref_slice %arg4[%mul3A_38] : memref<32768000xf32, #tpu.memory_space<hbm>> -> memref<8192xf32, #tpu.memory_space<hbm>>
    %dma_start3A_42 = tpu.memref_slice %arg4[%mul3A_38] : memref<32768000xf32, #tpu.memory_space<hbm>> -> memref<8192xf32, #tpu.memory_space<hbm>>
    %dma_start3A_43 = arith.constant 0 : i32
    %dma_start3A_44 = tpu.memref_slice %arg7[%dma_start3A_43] : memref<16384xf32, #tpu.memory_space<vmem>> -> memref<8192xf32, #tpu.memory_space<vmem>>
    tpu.enqueue_dma source(%dma_start3A_44 : memref<8192xf32, #tpu.memory_space<vmem>>) target(%dma_start3A_42 : memref<8192xf32, #tpu.memory_space<hbm>>) target_semaphore(%arg9 : memref<!tpu.dma_semaphore, #tpu.memory_space<semaphore_mem>>)
    %add3A_45 = arith.constant 1 : i32
    %add3A_46 = arith.addi %mul3A_2, %add3A_45 : i32
    %shift_right_arithmetic3A_47 = arith.constant 2 : i32
    %shift_right_arithmetic3A_48 = arith.shrsi %add3A_46, %shift_right_arithmetic3A_47 : i32
    %mul3A_49 = arith.constant 1024 : i32
    %mul3A_50 = arith.muli %shift_right_arithmetic3A_48, %mul3A_49 : i32
    %dma_wait3A_51 = arith.constant 1024 : i32
    %dma_wait3A_52 = tpu.memref_slice %arg6[%dma_wait3A_51] : memref<2048xi32, #tpu.memory_space<vmem>> -> memref<1024xi32, #tpu.memory_space<vmem>>
    %dma_wait3A_53 = tpu.memref_slice %arg2[%mul3A_50] : memref<1024000xi32, #tpu.memory_space<hbm>> -> memref<1024xi32, #tpu.memory_space<hbm>>
    %dma_wait3A_54 = arith.constant 1024 : i32
    %dma_wait3A_55 = tpu.memref_slice %arg6[%dma_wait3A_54] : memref<2048xi32, #tpu.memory_space<vmem>> -> memref<1024xi32, #tpu.memory_space<vmem>>
    %dma_wait3A_56 = tpu.memref_slice %arg2[%mul3A_50] : memref<1024000xi32, #tpu.memory_space<hbm>> -> memref<1024xi32, #tpu.memory_space<hbm>>
    tpu.wait_dma2 semaphore(%arg8 : memref<!tpu.dma_semaphore, #tpu.memory_space<semaphore_mem>>) src(%dma_wait3A_56 : memref<1024xi32, #tpu.memory_space<hbm>>) dst(%dma_wait3A_55 : memref<1024xi32, #tpu.memory_space<vmem>>)
    %add3A_57 = arith.constant 2 : i32
    %add3A_58 = arith.addi %mul3A_2, %add3A_57 : i32
    %shift_right_arithmetic3A_59 = arith.constant 2 : i32
    %shift_right_arithmetic3A_60 = arith.shrsi %add3A_58, %shift_right_arithmetic3A_59 : i32
    %mul3A_61 = arith.constant 1024 : i32
    %mul3A_62 = arith.muli %shift_right_arithmetic3A_60, %mul3A_61 : i32
    %dma_start3A_63 = arith.constant 0 : i32
    %dma_start3A_64 = tpu.memref_slice %arg6[%dma_start3A_63] : memref<2048xi32, #tpu.memory_space<vmem>> -> memref<1024xi32, #tpu.memory_space<vmem>>
    %dma_start3A_65 = tpu.memref_slice %arg2[%mul3A_62] : memref<1024000xi32, #tpu.memory_space<hbm>> -> memref<1024xi32, #tpu.memory_space<hbm>>
    %dma_start3A_66 = arith.constant 0 : i32
    %dma_start3A_67 = tpu.memref_slice %arg6[%dma_start3A_66] : memref<2048xi32, #tpu.memory_space<vmem>> -> memref<1024xi32, #tpu.memory_space<vmem>>
    %dma_start3A_68 = tpu.memref_slice %arg2[%mul3A_62] : memref<1024000xi32, #tpu.memory_space<hbm>> -> memref<1024xi32, #tpu.memory_space<hbm>>
    tpu.enqueue_dma source(%dma_start3A_68 : memref<1024xi32, #tpu.memory_space<hbm>>) target(%dma_start3A_67 : memref<1024xi32, #tpu.memory_space<vmem>>) target_semaphore(%arg8 : memref<!tpu.dma_semaphore, #tpu.memory_space<semaphore_mem>>)
    %add3A_69 = arith.constant 1 : i32
    %add3A_70 = arith.addi %mul3A_2, %add3A_69 : i32
    %and3A_71 = arith.constant 3 : i32
    %and3A_72 = arith.andi %add3A_70, %and3A_71 : i32
    %mul3A_73 = arith.constant 8 : i32
    %mul3A_74 = arith.muli %and3A_72, %mul3A_73 : i32
    %parallel_loop3A_75 = arith.constant 0 : i32
    %parallel_loop3A_76 = arith.constant 64 : i32
    %parallel_loop3A_77 = arith.constant 1 : i32
    scf.for %parallel_loop3A_149 = %parallel_loop3A_75 to %parallel_loop3A_76 step %parallel_loop3A_77  : i32 {
      %parallel_loop3A_150 = arith.constant 16 : i32
      %parallel_loop3A_151 = arith.muli %parallel_loop3A_149, %parallel_loop3A_150 : i32
      %parallel_loop3A_152 = arith.constant 1024 : i32
      %parallel_loop3A_153 = arith.addi %parallel_loop3A_152, %parallel_loop3A_151 : i32
      %parallel_loop3A_154 = arith.index_cast %parallel_loop3A_153 : i32 to index
      %parallel_loop3A_155 = tpu.vector_load %arg6[%parallel_loop3A_154] {strides = array<i32>} : memref<2048xi32, #tpu.memory_space<vmem>>, vector<16xi32>,
      %parallel_loop3A_156 = arith.constant 128 : i32
      %parallel_loop3A_157 = arith.muli %mul3A_74, %parallel_loop3A_156 : i32
      %parallel_loop3A_158 = vector.broadcast %parallel_loop3A_157 : i32 to vector<16xi32>
      %parallel_loop3A_159 = arith.addi %parallel_loop3A_155, %parallel_loop3A_158 : vector<16xi32>
      %parallel_loop3A_160 = arith.constant 3 : i32
      %parallel_loop3A_161 = arith.shrsi %parallel_loop3A_149, %parallel_loop3A_160 : i32
      %parallel_loop3A_162 = arith.constant 1024 : i32
      %parallel_loop3A_163 = arith.muli %parallel_loop3A_161, %parallel_loop3A_162 : i32
      %parallel_loop3A_164 = arith.constant 8192 : i32
      %parallel_loop3A_165 = arith.addi %parallel_loop3A_164, %parallel_loop3A_163 : i32
      %parallel_loop3A_166 = arith.constant 7 : i32
      %parallel_loop3A_167 = arith.andi %parallel_loop3A_149, %parallel_loop3A_166 : i32
      %parallel_loop3A_168 = arith.constant 16 : i32
      %parallel_loop3A_169 = arith.muli %parallel_loop3A_167, %parallel_loop3A_168 : i32
      %parallel_loop3A_170 = arith.addi %parallel_loop3A_165, %parallel_loop3A_169 : i32
      %parallel_loop3A_171 = arith.constant 0 : i32
      %parallel_loop3A_172 = vector.broadcast %parallel_loop3A_171 : i32 to vector<16xi32>
      %parallel_loop3A_173 = arith.addi %parallel_loop3A_159, %parallel_loop3A_172 : vector<16xi32>
      %parallel_loop3A_174 = tpu.vector_load_idx %arg5[%parallel_loop3A_173] : memref<4096xf32, #tpu.memory_space<vmem>>[vector<16xi32>], vector<16xf32>,
      %parallel_loop3A_175 = arith.constant 128 : i32
      %parallel_loop3A_176 = vector.broadcast %parallel_loop3A_175 : i32 to vector<16xi32>
      %parallel_loop3A_177 = arith.addi %parallel_loop3A_159, %parallel_loop3A_176 : vector<16xi32>
      %parallel_loop3A_178 = tpu.vector_load_idx %arg5[%parallel_loop3A_177] : memref<4096xf32, #tpu.memory_space<vmem>>[vector<16xi32>], vector<16xf32>,
      %parallel_loop3A_179 = arith.constant 256 : i32
      %parallel_loop3A_180 = vector.broadcast %parallel_loop3A_179 : i32 to vector<16xi32>
      %parallel_loop3A_181 = arith.addi %parallel_loop3A_159, %parallel_loop3A_180 : vector<16xi32>
      %parallel_loop3A_182 = tpu.vector_load_idx %arg5[%parallel_loop3A_181] : memref<4096xf32, #tpu.memory_space<vmem>>[vector<16xi32>], vector<16xf32>,
      %parallel_loop3A_183 = arith.constant 384 : i32
      %parallel_loop3A_184 = vector.broadcast %parallel_loop3A_183 : i32 to vector<16xi32>
      %parallel_loop3A_185 = arith.addi %parallel_loop3A_159, %parallel_loop3A_184 : vector<16xi32>
      %parallel_loop3A_186 = tpu.vector_load_idx %arg5[%parallel_loop3A_185] : memref<4096xf32, #tpu.memory_space<vmem>>[vector<16xi32>], vector<16xf32>,
      %parallel_loop3A_187 = arith.constant 512 : i32
      %parallel_loop3A_188 = vector.broadcast %parallel_loop3A_187 : i32 to vector<16xi32>
      %parallel_loop3A_189 = arith.addi %parallel_loop3A_159, %parallel_loop3A_188 : vector<16xi32>
      %parallel_loop3A_190 = tpu.vector_load_idx %arg5[%parallel_loop3A_189] : memref<4096xf32, #tpu.memory_space<vmem>>[vector<16xi32>], vector<16xf32>,
      %parallel_loop3A_191 = arith.constant 640 : i32
      %parallel_loop3A_192 = vector.broadcast %parallel_loop3A_191 : i32 to vector<16xi32>
      %parallel_loop3A_193 = arith.addi %parallel_loop3A_159, %parallel_loop3A_192 : vector<16xi32>
      %parallel_loop3A_194 = tpu.vector_load_idx %arg5[%parallel_loop3A_193] : memref<4096xf32, #tpu.memory_space<vmem>>[vector<16xi32>], vector<16xf32>,
      %parallel_loop3A_195 = arith.constant 768 : i32
      %parallel_loop3A_196 = vector.broadcast %parallel_loop3A_195 : i32 to vector<16xi32>
      %parallel_loop3A_197 = arith.addi %parallel_loop3A_159, %parallel_loop3A_196 : vector<16xi32>
      %parallel_loop3A_198 = tpu.vector_load_idx %arg5[%parallel_loop3A_197] : memref<4096xf32, #tpu.memory_space<vmem>>[vector<16xi32>], vector<16xf32>,
      %parallel_loop3A_199 = arith.constant 896 : i32
      %parallel_loop3A_200 = vector.broadcast %parallel_loop3A_199 : i32 to vector<16xi32>
      %parallel_loop3A_201 = arith.addi %parallel_loop3A_159, %parallel_loop3A_200 : vector<16xi32>
      %parallel_loop3A_202 = tpu.vector_load_idx %arg5[%parallel_loop3A_201] : memref<4096xf32, #tpu.memory_space<vmem>>[vector<16xi32>], vector<16xf32>,
      %parallel_loop3A_203 = arith.constant 0 : i32
      %parallel_loop3A_204 = arith.addi %parallel_loop3A_170, %parallel_loop3A_203 : i32
      %parallel_loop3A_205 = arith.index_cast %parallel_loop3A_204 : i32 to index
      %parallel_loop3A_206 = tpu.vector_load %arg7[%parallel_loop3A_205] {strides = array<i32>} : memref<16384xf32, #tpu.memory_space<vmem>>, vector<16xf32>,
      tpu.vector_store %arg7[%parallel_loop3A_205], %parallel_loop3A_174 {strides = array<i32>} : memref<16384xf32, #tpu.memory_space<vmem>>, vector<16xf32>,
      %parallel_loop3A_207 = arith.constant 128 : i32
      %parallel_loop3A_208 = arith.addi %parallel_loop3A_170, %parallel_loop3A_207 : i32
      %parallel_loop3A_209 = arith.index_cast %parallel_loop3A_208 : i32 to index
      %parallel_loop3A_210 = tpu.vector_load %arg7[%parallel_loop3A_209] {strides = array<i32>} : memref<16384xf32, #tpu.memory_space<vmem>>, vector<16xf32>,
      tpu.vector_store %arg7[%parallel_loop3A_209], %parallel_loop3A_178 {strides = array<i32>} : memref<16384xf32, #tpu.memory_space<vmem>>, vector<16xf32>,
      %parallel_loop3A_211 = arith.constant 256 : i32
      %parallel_loop3A_212 = arith.addi %parallel_loop3A_170, %parallel_loop3A_211 : i32
      %parallel_loop3A_213 = arith.index_cast %parallel_loop3A_212 : i32 to index
      %parallel_loop3A_214 = tpu.vector_load %arg7[%parallel_loop3A_213] {strides = array<i32>} : memref<16384xf32, #tpu.memory_space<vmem>>, vector<16xf32>,
      tpu.vector_store %arg7[%parallel_loop3A_213], %parallel_loop3A_182 {strides = array<i32>} : memref<16384xf32, #tpu.memory_space<vmem>>, vector<16xf32>,
      %parallel_loop3A_215 = arith.constant 384 : i32
      %parallel_loop3A_216 = arith.addi %parallel_loop3A_170, %parallel_loop3A_215 : i32
      %parallel_loop3A_217 = arith.index_cast %parallel_loop3A_216 : i32 to index
      %parallel_loop3A_218 = tpu.vector_load %arg7[%parallel_loop3A_217] {strides = array<i32>} : memref<16384xf32, #tpu.memory_space<vmem>>, vector<16xf32>,
      tpu.vector_store %arg7[%parallel_loop3A_217], %parallel_loop3A_186 {strides = array<i32>} : memref<16384xf32, #tpu.memory_space<vmem>>, vector<16xf32>,
      %parallel_loop3A_219 = arith.constant 512 : i32
      %parallel_loop3A_220 = arith.addi %parallel_loop3A_170, %parallel_loop3A_219 : i32
      %parallel_loop3A_221 = arith.index_cast %parallel_loop3A_220 : i32 to index
      %parallel_loop3A_222 = tpu.vector_load %arg7[%parallel_loop3A_221] {strides = array<i32>} : memref<16384xf32, #tpu.memory_space<vmem>>, vector<16xf32>,
      tpu.vector_store %arg7[%parallel_loop3A_221], %parallel_loop3A_190 {strides = array<i32>} : memref<16384xf32, #tpu.memory_space<vmem>>, vector<16xf32>,
      %parallel_loop3A_223 = arith.constant 640 : i32
      %parallel_loop3A_224 = arith.addi %parallel_loop3A_170, %parallel_loop3A_223 : i32
      %parallel_loop3A_225 = arith.index_cast %parallel_loop3A_224 : i32 to index
      %parallel_loop3A_226 = tpu.vector_load %arg7[%parallel_loop3A_225] {strides = array<i32>} : memref<16384xf32, #tpu.memory_space<vmem>>, vector<16xf32>,
      tpu.vector_store %arg7[%parallel_loop3A_225], %parallel_loop3A_194 {strides = array<i32>} : memref<16384xf32, #tpu.memory_space<vmem>>, vector<16xf32>,
      %parallel_loop3A_227 = arith.constant 768 : i32
      %parallel_loop3A_228 = arith.addi %parallel_loop3A_170, %parallel_loop3A_227 : i32
      %parallel_loop3A_229 = arith.index_cast %parallel_loop3A_228 : i32 to index
      %parallel_loop3A_230 = tpu.vector_load %arg7[%parallel_loop3A_229] {strides = array<i32>} : memref<16384xf32, #tpu.memory_space<vmem>>, vector<16xf32>,
      tpu.vector_store %arg7[%parallel_loop3A_229], %parallel_loop3A_198 {strides = array<i32>} : memref<16384xf32, #tpu.memory_space<vmem>>, vector<16xf32>,
      %parallel_loop3A_231 = arith.constant 896 : i32
      %parallel_loop3A_232 = arith.addi %parallel_loop3A_170, %parallel_loop3A_231 : i32
      %parallel_loop3A_233 = arith.index_cast %parallel_loop3A_232 : i32 to index
      %parallel_loop3A_234 = tpu.vector_load %arg7[%parallel_loop3A_233] {strides = array<i32>} : memref<16384xf32, #tpu.memory_space<vmem>>, vector<16xf32>,
      tpu.vector_store %arg7[%parallel_loop3A_233], %parallel_loop3A_202 {strides = array<i32>} : memref<16384xf32, #tpu.memory_space<vmem>>, vector<16xf32>,
    } {sc.loop_unroll_factor = 4 : i64, sc.parallel_access}
    %add3A_78 = arith.constant 1 : i32
    %add3A_79 = arith.addi %mul3A_2, %add3A_78 : i32
    %mul3A_80 = arith.constant 8192 : i32
    %mul3A_81 = arith.muli %add3A_79, %mul3A_80 : i32
    %dma_start3A_82 = arith.constant 8192 : i32
    %dma_start3A_83 = tpu.memref_slice %arg7[%dma_start3A_82] : memref<16384xf32, #tpu.memory_space<vmem>> -> memref<8192xf32, #tpu.memory_space<vmem>>
    %dma_start3A_84 = tpu.memref_slice %arg4[%mul3A_81] : memref<32768000xf32, #tpu.memory_space<hbm>> -> memref<8192xf32, #tpu.memory_space<hbm>>
    %dma_start3A_85 = tpu.memref_slice %arg4[%mul3A_81] : memref<32768000xf32, #tpu.memory_space<hbm>> -> memref<8192xf32, #tpu.memory_space<hbm>>
    %dma_start3A_86 = arith.constant 8192 : i32
    %dma_start3A_87 = tpu.memref_slice %arg7[%dma_start3A_86] : memref<16384xf32, #tpu.memory_space<vmem>> -> memref<8192xf32, #tpu.memory_space<vmem>>
    tpu.enqueue_dma source(%dma_start3A_87 : memref<8192xf32, #tpu.memory_space<vmem>>) target(%dma_start3A_85 : memref<8192xf32, #tpu.memory_space<hbm>>) target_semaphore(%arg9 : memref<!tpu.dma_semaphore, #tpu.memory_space<semaphore_mem>>)
    %scan3A = arith.constant 0 : i32
    %scan3A_88 = arith.constant 2 : i32
    %scan3A_89 = arith.constant 122 : i32
    %scan3A_90 = arith.addi %scan3A_88, %scan3A_89 : i32
    %scan3A_91 = arith.constant 1 : i32
    scf.for %scan3A_149 = %scan3A_88 to %scan3A_90 step %scan3A_91  : i32 {
      %add3A_150 = arith.addi %mul3A_2, %scan3A_149 : i32
      %and3A_151 = arith.constant 1 : i32
      %and3A_152 = arith.andi %scan3A_149, %and3A_151 : i32
      %shift_right_arithmetic3A_153 = arith.constant 2 : i32
      %shift_right_arithmetic3A_154 = arith.shrsi %add3A_150, %shift_right_arithmetic3A_153 : i32
      %mul3A_155 = arith.constant 1024 : i32
      %mul3A_156 = arith.muli %shift_right_arithmetic3A_154, %mul3A_155 : i32
      %mul3A_157 = arith.constant 1024 : i32
      %mul3A_158 = arith.muli %and3A_152, %mul3A_157 : i32
      %dma_wait3A_159 = tpu.memref_slice %arg6[%mul3A_158] : memref<2048xi32, #tpu.memory_space<vmem>> -> memref<1024xi32, #tpu.memory_space<vmem>>
      %dma_wait3A_160 = tpu.memref_slice %arg2[%mul3A_156] : memref<1024000xi32, #tpu.memory_space<hbm>> -> memref<1024xi32, #tpu.memory_space<hbm>>
      %dma_wait3A_161 = tpu.memref_slice %arg6[%mul3A_158] : memref<2048xi32, #tpu.memory_space<vmem>> -> memref<1024xi32, #tpu.memory_space<vmem>>
      %dma_wait3A_162 = tpu.memref_slice %arg2[%mul3A_156] : memref<1024000xi32, #tpu.memory_space<hbm>> -> memref<1024xi32, #tpu.memory_space<hbm>>
      tpu.wait_dma2 semaphore(%arg8 : memref<!tpu.dma_semaphore, #tpu.memory_space<semaphore_mem>>) src(%dma_wait3A_162 : memref<1024xi32, #tpu.memory_space<hbm>>) dst(%dma_wait3A_161 : memref<1024xi32, #tpu.memory_space<vmem>>)
      %add3A_163 = arith.constant 1 : i32
      %add3A_164 = arith.addi %add3A_150, %add3A_163 : i32
      %sub3A_165 = arith.constant 1 : i32
      %sub3A_166 = arith.subi %sub3A_165, %and3A_152 : i32
      %shift_right_arithmetic3A_167 = arith.constant 2 : i32
      %shift_right_arithmetic3A_168 = arith.shrsi %add3A_164, %shift_right_arithmetic3A_167 : i32
      %mul3A_169 = arith.constant 1024 : i32
      %mul3A_170 = arith.muli %shift_right_arithmetic3A_168, %mul3A_169 : i32
      %mul3A_171 = arith.constant 1024 : i32
      %mul3A_172 = arith.muli %sub3A_166, %mul3A_171 : i32
      %dma_start3A_173 = tpu.memref_slice %arg6[%mul3A_172] : memref<2048xi32, #tpu.memory_space<vmem>> -> memref<1024xi32, #tpu.memory_space<vmem>>
      %dma_start3A_174 = tpu.memref_slice %arg2[%mul3A_170] : memref<1024000xi32, #tpu.memory_space<hbm>> -> memref<1024xi32, #tpu.memory_space<hbm>>
      %dma_start3A_175 = tpu.memref_slice %arg6[%mul3A_172] : memref<2048xi32, #tpu.memory_space<vmem>> -> memref<1024xi32, #tpu.memory_space<vmem>>
      %dma_start3A_176 = tpu.memref_slice %arg2[%mul3A_170] : memref<1024000xi32, #tpu.memory_space<hbm>> -> memref<1024xi32, #tpu.memory_space<hbm>>
      tpu.enqueue_dma source(%dma_start3A_176 : memref<1024xi32, #tpu.memory_space<hbm>>) target(%dma_start3A_175 : memref<1024xi32, #tpu.memory_space<vmem>>) target_semaphore(%arg8 : memref<!tpu.dma_semaphore, #tpu.memory_space<semaphore_mem>>)
      %sub3A_177 = arith.constant 2 : i32
      %sub3A_178 = arith.subi %add3A_150, %sub3A_177 : i32
      %mul3A_179 = arith.constant 8192 : i32
      %mul3A_180 = arith.muli %and3A_152, %mul3A_179 : i32
      %mul3A_181 = arith.constant 8192 : i32
      %mul3A_182 = arith.muli %sub3A_178, %mul3A_181 : i32
      %dma_wait3A_183 = tpu.memref_slice %arg7[%mul3A_180] : memref<16384xf32, #tpu.memory_space<vmem>> -> memref<8192xf32, #tpu.memory_space<vmem>>
      %dma_wait3A_184 = tpu.memref_slice %arg4[%mul3A_182] : memref<32768000xf32, #tpu.memory_space<hbm>> -> memref<8192xf32, #tpu.memory_space<hbm>>
      %dma_wait3A_185 = tpu.memref_slice %arg4[%mul3A_182] : memref<32768000xf32, #tpu.memory_space<hbm>> -> memref<8192xf32, #tpu.memory_space<hbm>>
      %dma_wait3A_186 = tpu.memref_slice %arg7[%mul3A_180] : memref<16384xf32, #tpu.memory_space<vmem>> -> memref<8192xf32, #tpu.memory_space<vmem>>
      tpu.wait_dma2 semaphore(%arg9 : memref<!tpu.dma_semaphore, #tpu.memory_space<semaphore_mem>>) src(%dma_wait3A_186 : memref<8192xf32, #tpu.memory_space<vmem>>) dst(%dma_wait3A_185 : memref<8192xf32, #tpu.memory_space<hbm>>)
      %and3A_187 = arith.constant 3 : i32
      %and3A_188 = arith.andi %add3A_150, %and3A_187 : i32
      %mul3A_189 = arith.constant 8 : i32
      %mul3A_190 = arith.muli %and3A_188, %mul3A_189 : i32
      %parallel_loop3A_191 = arith.constant 0 : i32
      %parallel_loop3A_192 = arith.constant 64 : i32
      %parallel_loop3A_193 = arith.constant 1 : i32
      scf.for %parallel_loop3A_202 = %parallel_loop3A_191 to %parallel_loop3A_192 step %parallel_loop3A_193  : i32 {
        %parallel_loop3A_203 = arith.constant 1024 : i32
        %parallel_loop3A_204 = arith.muli %and3A_152, %parallel_loop3A_203 : i32
        %parallel_loop3A_205 = arith.constant 16 : i32
        %parallel_loop3A_206 = arith.muli %parallel_loop3A_202, %parallel_loop3A_205 : i32
        %parallel_loop3A_207 = arith.addi %parallel_loop3A_204, %parallel_loop3A_206 : i32
        %parallel_loop3A_208 = arith.index_cast %parallel_loop3A_207 : i32 to index
        %parallel_loop3A_209 = tpu.vector_load %arg6[%parallel_loop3A_208] {strides = array<i32>} : memref<2048xi32, #tpu.memory_space<vmem>>, vector<16xi32>,
        %parallel_loop3A_210 = arith.constant 128 : i32
        %parallel_loop3A_211 = arith.muli %mul3A_190, %parallel_loop3A_210 : i32
        %parallel_loop3A_212 = vector.broadcast %parallel_loop3A_211 : i32 to vector<16xi32>
        %parallel_loop3A_213 = arith.addi %parallel_loop3A_209, %parallel_loop3A_212 : vector<16xi32>
        %parallel_loop3A_214 = arith.constant 8192 : i32
        %parallel_loop3A_215 = arith.muli %and3A_152, %parallel_loop3A_214 : i32
        %parallel_loop3A_216 = arith.constant 3 : i32
        %parallel_loop3A_217 = arith.shrsi %parallel_loop3A_202, %parallel_loop3A_216 : i32
        %parallel_loop3A_218 = arith.constant 1024 : i32
        %parallel_loop3A_219 = arith.muli %parallel_loop3A_217, %parallel_loop3A_218 : i32
        %parallel_loop3A_220 = arith.addi %parallel_loop3A_215, %parallel_loop3A_219 : i32
        %parallel_loop3A_221 = arith.constant 7 : i32
        %parallel_loop3A_222 = arith.andi %parallel_loop3A_202, %parallel_loop3A_221 : i32
        %parallel_loop3A_223 = arith.constant 16 : i32
        %parallel_loop3A_224 = arith.muli %parallel_loop3A_222, %parallel_loop3A_223 : i32
        %parallel_loop3A_225 = arith.addi %parallel_loop3A_220, %parallel_loop3A_224 : i32
        %parallel_loop3A_226 = arith.constant 0 : i32
        %parallel_loop3A_227 = vector.broadcast %parallel_loop3A_226 : i32 to vector<16xi32>
        %parallel_loop3A_228 = arith.addi %parallel_loop3A_213, %parallel_loop3A_227 : vector<16xi32>
        %parallel_loop3A_229 = tpu.vector_load_idx %arg5[%parallel_loop3A_228] : memref<4096xf32, #tpu.memory_space<vmem>>[vector<16xi32>], vector<16xf32>,
        %parallel_loop3A_230 = arith.constant 128 : i32
        %parallel_loop3A_231 = vector.broadcast %parallel_loop3A_230 : i32 to vector<16xi32>
        %parallel_loop3A_232 = arith.addi %parallel_loop3A_213, %parallel_loop3A_231 : vector<16xi32>
        %parallel_loop3A_233 = tpu.vector_load_idx %arg5[%parallel_loop3A_232] : memref<4096xf32, #tpu.memory_space<vmem>>[vector<16xi32>], vector<16xf32>,
        %parallel_loop3A_234 = arith.constant 256 : i32
        %parallel_loop3A_235 = vector.broadcast %parallel_loop3A_234 : i32 to vector<16xi32>
        %parallel_loop3A_236 = arith.addi %parallel_loop3A_213, %parallel_loop3A_235 : vector<16xi32>
        %parallel_loop3A_237 = tpu.vector_load_idx %arg5[%parallel_loop3A_236] : memref<4096xf32, #tpu.memory_space<vmem>>[vector<16xi32>], vector<16xf32>,
        %parallel_loop3A_238 = arith.constant 384 : i32
        %parallel_loop3A_239 = vector.broadcast %parallel_loop3A_238 : i32 to vector<16xi32>
        %parallel_loop3A_240 = arith.addi %parallel_loop3A_213, %parallel_loop3A_239 : vector<16xi32>
        %parallel_loop3A_241 = tpu.vector_load_idx %arg5[%parallel_loop3A_240] : memref<4096xf32, #tpu.memory_space<vmem>>[vector<16xi32>], vector<16xf32>,
        %parallel_loop3A_242 = arith.constant 512 : i32
        %parallel_loop3A_243 = vector.broadcast %parallel_loop3A_242 : i32 to vector<16xi32>
        %parallel_loop3A_244 = arith.addi %parallel_loop3A_213, %parallel_loop3A_243 : vector<16xi32>
        %parallel_loop3A_245 = tpu.vector_load_idx %arg5[%parallel_loop3A_244] : memref<4096xf32, #tpu.memory_space<vmem>>[vector<16xi32>], vector<16xf32>,
        %parallel_loop3A_246 = arith.constant 640 : i32
        %parallel_loop3A_247 = vector.broadcast %parallel_loop3A_246 : i32 to vector<16xi32>
        %parallel_loop3A_248 = arith.addi %parallel_loop3A_213, %parallel_loop3A_247 : vector<16xi32>
        %parallel_loop3A_249 = tpu.vector_load_idx %arg5[%parallel_loop3A_248] : memref<4096xf32, #tpu.memory_space<vmem>>[vector<16xi32>], vector<16xf32>,
        %parallel_loop3A_250 = arith.constant 768 : i32
        %parallel_loop3A_251 = vector.broadcast %parallel_loop3A_250 : i32 to vector<16xi32>
        %parallel_loop3A_252 = arith.addi %parallel_loop3A_213, %parallel_loop3A_251 : vector<16xi32>
        %parallel_loop3A_253 = tpu.vector_load_idx %arg5[%parallel_loop3A_252] : memref<4096xf32, #tpu.memory_space<vmem>>[vector<16xi32>], vector<16xf32>,
        %parallel_loop3A_254 = arith.constant 896 : i32
        %parallel_loop3A_255 = vector.broadcast %parallel_loop3A_254 : i32 to vector<16xi32>
        %parallel_loop3A_256 = arith.addi %parallel_loop3A_213, %parallel_loop3A_255 : vector<16xi32>
        %parallel_loop3A_257 = tpu.vector_load_idx %arg5[%parallel_loop3A_256] : memref<4096xf32, #tpu.memory_space<vmem>>[vector<16xi32>], vector<16xf32>,
        %parallel_loop3A_258 = arith.constant 0 : i32
        %parallel_loop3A_259 = arith.addi %parallel_loop3A_225, %parallel_loop3A_258 : i32
        %parallel_loop3A_260 = arith.index_cast %parallel_loop3A_259 : i32 to index
        %parallel_loop3A_261 = tpu.vector_load %arg7[%parallel_loop3A_260] {strides = array<i32>} : memref<16384xf32, #tpu.memory_space<vmem>>, vector<16xf32>,
        tpu.vector_store %arg7[%parallel_loop3A_260], %parallel_loop3A_229 {strides = array<i32>} : memref<16384xf32, #tpu.memory_space<vmem>>, vector<16xf32>,
        %parallel_loop3A_262 = arith.constant 128 : i32
        %parallel_loop3A_263 = arith.addi %parallel_loop3A_225, %parallel_loop3A_262 : i32
        %parallel_loop3A_264 = arith.index_cast %parallel_loop3A_263 : i32 to index
        %parallel_loop3A_265 = tpu.vector_load %arg7[%parallel_loop3A_264] {strides = array<i32>} : memref<16384xf32, #tpu.memory_space<vmem>>, vector<16xf32>,
        tpu.vector_store %arg7[%parallel_loop3A_264], %parallel_loop3A_233 {strides = array<i32>} : memref<16384xf32, #tpu.memory_space<vmem>>, vector<16xf32>,
        %parallel_loop3A_266 = arith.constant 256 : i32
        %parallel_loop3A_267 = arith.addi %parallel_loop3A_225, %parallel_loop3A_266 : i32
        %parallel_loop3A_268 = arith.index_cast %parallel_loop3A_267 : i32 to index
        %parallel_loop3A_269 = tpu.vector_load %arg7[%parallel_loop3A_268] {strides = array<i32>} : memref<16384xf32, #tpu.memory_space<vmem>>, vector<16xf32>,
        tpu.vector_store %arg7[%parallel_loop3A_268], %parallel_loop3A_237 {strides = array<i32>} : memref<16384xf32, #tpu.memory_space<vmem>>, vector<16xf32>,
        %parallel_loop3A_270 = arith.constant 384 : i32
        %parallel_loop3A_271 = arith.addi %parallel_loop3A_225, %parallel_loop3A_270 : i32
        %parallel_loop3A_272 = arith.index_cast %parallel_loop3A_271 : i32 to index
        %parallel_loop3A_273 = tpu.vector_load %arg7[%parallel_loop3A_272] {strides = array<i32>} : memref<16384xf32, #tpu.memory_space<vmem>>, vector<16xf32>,
        tpu.vector_store %arg7[%parallel_loop3A_272], %parallel_loop3A_241 {strides = array<i32>} : memref<16384xf32, #tpu.memory_space<vmem>>, vector<16xf32>,
        %parallel_loop3A_274 = arith.constant 512 : i32
        %parallel_loop3A_275 = arith.addi %parallel_loop3A_225, %parallel_loop3A_274 : i32
        %parallel_loop3A_276 = arith.index_cast %parallel_loop3A_275 : i32 to index
        %parallel_loop3A_277 = tpu.vector_load %arg7[%parallel_loop3A_276] {strides = array<i32>} : memref<16384xf32, #tpu.memory_space<vmem>>, vector<16xf32>,
        tpu.vector_store %arg7[%parallel_loop3A_276], %parallel_loop3A_245 {strides = array<i32>} : memref<16384xf32, #tpu.memory_space<vmem>>, vector<16xf32>,
        %parallel_loop3A_278 = arith.constant 640 : i32
        %parallel_loop3A_279 = arith.addi %parallel_loop3A_225, %parallel_loop3A_278 : i32
        %parallel_loop3A_280 = arith.index_cast %parallel_loop3A_279 : i32 to index
        %parallel_loop3A_281 = tpu.vector_load %arg7[%parallel_loop3A_280] {strides = array<i32>} : memref<16384xf32, #tpu.memory_space<vmem>>, vector<16xf32>,
        tpu.vector_store %arg7[%parallel_loop3A_280], %parallel_loop3A_249 {strides = array<i32>} : memref<16384xf32, #tpu.memory_space<vmem>>, vector<16xf32>,
        %parallel_loop3A_282 = arith.constant 768 : i32
        %parallel_loop3A_283 = arith.addi %parallel_loop3A_225, %parallel_loop3A_282 : i32
        %parallel_loop3A_284 = arith.index_cast %parallel_loop3A_283 : i32 to index
        %parallel_loop3A_285 = tpu.vector_load %arg7[%parallel_loop3A_284] {strides = array<i32>} : memref<16384xf32, #tpu.memory_space<vmem>>, vector<16xf32>,
        tpu.vector_store %arg7[%parallel_loop3A_284], %parallel_loop3A_253 {strides = array<i32>} : memref<16384xf32, #tpu.memory_space<vmem>>, vector<16xf32>,
        %parallel_loop3A_286 = arith.constant 896 : i32
        %parallel_loop3A_287 = arith.addi %parallel_loop3A_225, %parallel_loop3A_286 : i32
        %parallel_loop3A_288 = arith.index_cast %parallel_loop3A_287 : i32 to index
        %parallel_loop3A_289 = tpu.vector_load %arg7[%parallel_loop3A_288] {strides = array<i32>} : memref<16384xf32, #tpu.memory_space<vmem>>, vector<16xf32>,
        tpu.vector_store %arg7[%parallel_loop3A_288], %parallel_loop3A_257 {strides = array<i32>} : memref<16384xf32, #tpu.memory_space<vmem>>, vector<16xf32>,
      } {sc.loop_unroll_factor = 4 : i64, sc.parallel_access}
      %mul3A_194 = arith.constant 8192 : i32
      %mul3A_195 = arith.muli %and3A_152, %mul3A_194 : i32
      %mul3A_196 = arith.constant 8192 : i32
      %mul3A_197 = arith.muli %add3A_150, %mul3A_196 : i32
      %dma_start3A_198 = tpu.memref_slice %arg7[%mul3A_195] : memref<16384xf32, #tpu.memory_space<vmem>> -> memref<8192xf32, #tpu.memory_space<vmem>>
      %dma_start3A_199 = tpu.memref_slice %arg4[%mul3A_197] : memref<32768000xf32, #tpu.memory_space<hbm>> -> memref<8192xf32, #tpu.memory_space<hbm>>
      %dma_start3A_200 = tpu.memref_slice %arg4[%mul3A_197] : memref<32768000xf32, #tpu.memory_space<hbm>> -> memref<8192xf32, #tpu.memory_space<hbm>>
      %dma_start3A_201 = tpu.memref_slice %arg7[%mul3A_195] : memref<16384xf32, #tpu.memory_space<vmem>> -> memref<8192xf32, #tpu.memory_space<vmem>>
      tpu.enqueue_dma source(%dma_start3A_201 : memref<8192xf32, #tpu.memory_space<vmem>>) target(%dma_start3A_200 : memref<8192xf32, #tpu.memory_space<hbm>>) target_semaphore(%arg9 : memref<!tpu.dma_semaphore, #tpu.memory_space<semaphore_mem>>)
    }
    %scan3A_92 = arith.constant 122 : i32
    %add3A_93 = arith.constant 125 : i32
    %add3A_94 = arith.addi %mul3A_2, %add3A_93 : i32
    %sub3A = arith.constant 1 : i32
    %sub3A_95 = arith.subi %add3A_94, %sub3A : i32
    %shift_right_arithmetic3A_96 = arith.constant 2 : i32
    %shift_right_arithmetic3A_97 = arith.shrsi %sub3A_95, %shift_right_arithmetic3A_96 : i32
    %mul3A_98 = arith.constant 1024 : i32
    %mul3A_99 = arith.muli %shift_right_arithmetic3A_97, %mul3A_98 : i32
    %dma_wait3A_100 = arith.constant 0 : i32
    %dma_wait3A_101 = tpu.memref_slice %arg6[%dma_wait3A_100] : memref<2048xi32, #tpu.memory_space<vmem>> -> memref<1024xi32, #tpu.memory_space<vmem>>
    %dma_wait3A_102 = tpu.memref_slice %arg2[%mul3A_99] : memref<1024000xi32, #tpu.memory_space<hbm>> -> memref<1024xi32, #tpu.memory_space<hbm>>
    %dma_wait3A_103 = arith.constant 0 : i32
    %dma_wait3A_104 = tpu.memref_slice %arg6[%dma_wait3A_103] : memref<2048xi32, #tpu.memory_space<vmem>> -> memref<1024xi32, #tpu.memory_space<vmem>>
    %dma_wait3A_105 = tpu.memref_slice %arg2[%mul3A_99] : memref<1024000xi32, #tpu.memory_space<hbm>> -> memref<1024xi32, #tpu.memory_space<hbm>>
    tpu.wait_dma2 semaphore(%arg8 : memref<!tpu.dma_semaphore, #tpu.memory_space<semaphore_mem>>) src(%dma_wait3A_105 : memref<1024xi32, #tpu.memory_space<hbm>>) dst(%dma_wait3A_104 : memref<1024xi32, #tpu.memory_space<vmem>>)
    %sub3A_106 = arith.constant 2 : i32
    %sub3A_107 = arith.subi %sub3A_95, %sub3A_106 : i32
    %mul3A_108 = arith.constant 8192 : i32
    %mul3A_109 = arith.muli %sub3A_107, %mul3A_108 : i32
    %dma_wait3A_110 = arith.constant 0 : i32
    %dma_wait3A_111 = tpu.memref_slice %arg7[%dma_wait3A_110] : memref<16384xf32, #tpu.memory_space<vmem>> -> memref<8192xf32, #tpu.memory_space<vmem>>
    %dma_wait3A_112 = tpu.memref_slice %arg4[%mul3A_109] : memref<32768000xf32, #tpu.memory_space<hbm>> -> memref<8192xf32, #tpu.memory_space<hbm>>
    %dma_wait3A_113 = tpu.memref_slice %arg4[%mul3A_109] : memref<32768000xf32, #tpu.memory_space<hbm>> -> memref<8192xf32, #tpu.memory_space<hbm>>
    %dma_wait3A_114 = arith.constant 0 : i32
    %dma_wait3A_115 = tpu.memref_slice %arg7[%dma_wait3A_114] : memref<16384xf32, #tpu.memory_space<vmem>> -> memref<8192xf32, #tpu.memory_space<vmem>>
    tpu.wait_dma2 semaphore(%arg9 : memref<!tpu.dma_semaphore, #tpu.memory_space<semaphore_mem>>) src(%dma_wait3A_115 : memref<8192xf32, #tpu.memory_space<vmem>>) dst(%dma_wait3A_113 : memref<8192xf32, #tpu.memory_space<hbm>>)
    %and3A_116 = arith.constant 3 : i32
    %and3A_117 = arith.andi %sub3A_95, %and3A_116 : i32
    %mul3A_118 = arith.constant 8 : i32
    %mul3A_119 = arith.muli %and3A_117, %mul3A_118 : i32
    %parallel_loop3A_120 = arith.constant 0 : i32
    %parallel_loop3A_121 = arith.constant 64 : i32
    %parallel_loop3A_122 = arith.constant 1 : i32
    scf.for %parallel_loop3A_149 = %parallel_loop3A_120 to %parallel_loop3A_121 step %parallel_loop3A_122  : i32 {
      %parallel_loop3A_150 = arith.constant 16 : i32
      %parallel_loop3A_151 = arith.muli %parallel_loop3A_149, %parallel_loop3A_150 : i32
      %parallel_loop3A_152 = arith.constant 0 : i32
      %parallel_loop3A_153 = arith.addi %parallel_loop3A_152, %parallel_loop3A_151 : i32
      %parallel_loop3A_154 = arith.index_cast %parallel_loop3A_153 : i32 to index
      %parallel_loop3A_155 = tpu.vector_load %arg6[%parallel_loop3A_154] {strides = array<i32>} : memref<2048xi32, #tpu.memory_space<vmem>>, vector<16xi32>,
      %parallel_loop3A_156 = arith.constant 128 : i32
      %parallel_loop3A_157 = arith.muli %mul3A_119, %parallel_loop3A_156 : i32
      %parallel_loop3A_158 = vector.broadcast %parallel_loop3A_157 : i32 to vector<16xi32>
      %parallel_loop3A_159 = arith.addi %parallel_loop3A_155, %parallel_loop3A_158 : vector<16xi32>
      %parallel_loop3A_160 = arith.constant 3 : i32
      %parallel_loop3A_161 = arith.shrsi %parallel_loop3A_149, %parallel_loop3A_160 : i32
      %parallel_loop3A_162 = arith.constant 1024 : i32
      %parallel_loop3A_163 = arith.muli %parallel_loop3A_161, %parallel_loop3A_162 : i32
      %parallel_loop3A_164 = arith.constant 0 : i32
      %parallel_loop3A_165 = arith.addi %parallel_loop3A_164, %parallel_loop3A_163 : i32
      %parallel_loop3A_166 = arith.constant 7 : i32
      %parallel_loop3A_167 = arith.andi %parallel_loop3A_149, %parallel_loop3A_166 : i32
      %parallel_loop3A_168 = arith.constant 16 : i32
      %parallel_loop3A_169 = arith.muli %parallel_loop3A_167, %parallel_loop3A_168 : i32
      %parallel_loop3A_170 = arith.addi %parallel_loop3A_165, %parallel_loop3A_169 : i32
      %parallel_loop3A_171 = arith.constant 0 : i32
      %parallel_loop3A_172 = vector.broadcast %parallel_loop3A_171 : i32 to vector<16xi32>
      %parallel_loop3A_173 = arith.addi %parallel_loop3A_159, %parallel_loop3A_172 : vector<16xi32>
      %parallel_loop3A_174 = tpu.vector_load_idx %arg5[%parallel_loop3A_173] : memref<4096xf32, #tpu.memory_space<vmem>>[vector<16xi32>], vector<16xf32>,
      %parallel_loop3A_175 = arith.constant 128 : i32
      %parallel_loop3A_176 = vector.broadcast %parallel_loop3A_175 : i32 to vector<16xi32>
      %parallel_loop3A_177 = arith.addi %parallel_loop3A_159, %parallel_loop3A_176 : vector<16xi32>
      %parallel_loop3A_178 = tpu.vector_load_idx %arg5[%parallel_loop3A_177] : memref<4096xf32, #tpu.memory_space<vmem>>[vector<16xi32>], vector<16xf32>,
      %parallel_loop3A_179 = arith.constant 256 : i32
      %parallel_loop3A_180 = vector.broadcast %parallel_loop3A_179 : i32 to vector<16xi32>
      %parallel_loop3A_181 = arith.addi %parallel_loop3A_159, %parallel_loop3A_180 : vector<16xi32>
      %parallel_loop3A_182 = tpu.vector_load_idx %arg5[%parallel_loop3A_181] : memref<4096xf32, #tpu.memory_space<vmem>>[vector<16xi32>], vector<16xf32>,
      %parallel_loop3A_183 = arith.constant 384 : i32
      %parallel_loop3A_184 = vector.broadcast %parallel_loop3A_183 : i32 to vector<16xi32>
      %parallel_loop3A_185 = arith.addi %parallel_loop3A_159, %parallel_loop3A_184 : vector<16xi32>
      %parallel_loop3A_186 = tpu.vector_load_idx %arg5[%parallel_loop3A_185] : memref<4096xf32, #tpu.memory_space<vmem>>[vector<16xi32>], vector<16xf32>,
      %parallel_loop3A_187 = arith.constant 512 : i32
      %parallel_loop3A_188 = vector.broadcast %parallel_loop3A_187 : i32 to vector<16xi32>
      %parallel_loop3A_189 = arith.addi %parallel_loop3A_159, %parallel_loop3A_188 : vector<16xi32>
      %parallel_loop3A_190 = tpu.vector_load_idx %arg5[%parallel_loop3A_189] : memref<4096xf32, #tpu.memory_space<vmem>>[vector<16xi32>], vector<16xf32>,
      %parallel_loop3A_191 = arith.constant 640 : i32
      %parallel_loop3A_192 = vector.broadcast %parallel_loop3A_191 : i32 to vector<16xi32>
      %parallel_loop3A_193 = arith.addi %parallel_loop3A_159, %parallel_loop3A_192 : vector<16xi32>
      %parallel_loop3A_194 = tpu.vector_load_idx %arg5[%parallel_loop3A_193] : memref<4096xf32, #tpu.memory_space<vmem>>[vector<16xi32>], vector<16xf32>,
      %parallel_loop3A_195 = arith.constant 768 : i32
      %parallel_loop3A_196 = vector.broadcast %parallel_loop3A_195 : i32 to vector<16xi32>
      %parallel_loop3A_197 = arith.addi %parallel_loop3A_159, %parallel_loop3A_196 : vector<16xi32>
      %parallel_loop3A_198 = tpu.vector_load_idx %arg5[%parallel_loop3A_197] : memref<4096xf32, #tpu.memory_space<vmem>>[vector<16xi32>], vector<16xf32>,
      %parallel_loop3A_199 = arith.constant 896 : i32
      %parallel_loop3A_200 = vector.broadcast %parallel_loop3A_199 : i32 to vector<16xi32>
      %parallel_loop3A_201 = arith.addi %parallel_loop3A_159, %parallel_loop3A_200 : vector<16xi32>
      %parallel_loop3A_202 = tpu.vector_load_idx %arg5[%parallel_loop3A_201] : memref<4096xf32, #tpu.memory_space<vmem>>[vector<16xi32>], vector<16xf32>,
      %parallel_loop3A_203 = arith.constant 0 : i32
      %parallel_loop3A_204 = arith.addi %parallel_loop3A_170, %parallel_loop3A_203 : i32
      %parallel_loop3A_205 = arith.index_cast %parallel_loop3A_204 : i32 to index
      %parallel_loop3A_206 = tpu.vector_load %arg7[%parallel_loop3A_205] {strides = array<i32>} : memref<16384xf32, #tpu.memory_space<vmem>>, vector<16xf32>,
      tpu.vector_store %arg7[%parallel_loop3A_205], %parallel_loop3A_174 {strides = array<i32>} : memref<16384xf32, #tpu.memory_space<vmem>>, vector<16xf32>,
      %parallel_loop3A_207 = arith.constant 128 : i32
      %parallel_loop3A_208 = arith.addi %parallel_loop3A_170, %parallel_loop3A_207 : i32
      %parallel_loop3A_209 = arith.index_cast %parallel_loop3A_208 : i32 to index
      %parallel_loop3A_210 = tpu.vector_load %arg7[%parallel_loop3A_209] {strides = array<i32>} : memref<16384xf32, #tpu.memory_space<vmem>>, vector<16xf32>,
      tpu.vector_store %arg7[%parallel_loop3A_209], %parallel_loop3A_178 {strides = array<i32>} : memref<16384xf32, #tpu.memory_space<vmem>>, vector<16xf32>,
      %parallel_loop3A_211 = arith.constant 256 : i32
      %parallel_loop3A_212 = arith.addi %parallel_loop3A_170, %parallel_loop3A_211 : i32
      %parallel_loop3A_213 = arith.index_cast %parallel_loop3A_212 : i32 to index
      %parallel_loop3A_214 = tpu.vector_load %arg7[%parallel_loop3A_213] {strides = array<i32>} : memref<16384xf32, #tpu.memory_space<vmem>>, vector<16xf32>,
      tpu.vector_store %arg7[%parallel_loop3A_213], %parallel_loop3A_182 {strides = array<i32>} : memref<16384xf32, #tpu.memory_space<vmem>>, vector<16xf32>,
      %parallel_loop3A_215 = arith.constant 384 : i32
      %parallel_loop3A_216 = arith.addi %parallel_loop3A_170, %parallel_loop3A_215 : i32
      %parallel_loop3A_217 = arith.index_cast %parallel_loop3A_216 : i32 to index
      %parallel_loop3A_218 = tpu.vector_load %arg7[%parallel_loop3A_217] {strides = array<i32>} : memref<16384xf32, #tpu.memory_space<vmem>>, vector<16xf32>,
      tpu.vector_store %arg7[%parallel_loop3A_217], %parallel_loop3A_186 {strides = array<i32>} : memref<16384xf32, #tpu.memory_space<vmem>>, vector<16xf32>,
      %parallel_loop3A_219 = arith.constant 512 : i32
      %parallel_loop3A_220 = arith.addi %parallel_loop3A_170, %parallel_loop3A_219 : i32
      %parallel_loop3A_221 = arith.index_cast %parallel_loop3A_220 : i32 to index
      %parallel_loop3A_222 = tpu.vector_load %arg7[%parallel_loop3A_221] {strides = array<i32>} : memref<16384xf32, #tpu.memory_space<vmem>>, vector<16xf32>,
      tpu.vector_store %arg7[%parallel_loop3A_221], %parallel_loop3A_190 {strides = array<i32>} : memref<16384xf32, #tpu.memory_space<vmem>>, vector<16xf32>,
      %parallel_loop3A_223 = arith.constant 640 : i32
      %parallel_loop3A_224 = arith.addi %parallel_loop3A_170, %parallel_loop3A_223 : i32
      %parallel_loop3A_225 = arith.index_cast %parallel_loop3A_224 : i32 to index
      %parallel_loop3A_226 = tpu.vector_load %arg7[%parallel_loop3A_225] {strides = array<i32>} : memref<16384xf32, #tpu.memory_space<vmem>>, vector<16xf32>,
      tpu.vector_store %arg7[%parallel_loop3A_225], %parallel_loop3A_194 {strides = array<i32>} : memref<16384xf32, #tpu.memory_space<vmem>>, vector<16xf32>,
      %parallel_loop3A_227 = arith.constant 768 : i32
      %parallel_loop3A_228 = arith.addi %parallel_loop3A_170, %parallel_loop3A_227 : i32
      %parallel_loop3A_229 = arith.index_cast %parallel_loop3A_228 : i32 to index
      %parallel_loop3A_230 = tpu.vector_load %arg7[%parallel_loop3A_229] {strides = array<i32>} : memref<16384xf32, #tpu.memory_space<vmem>>, vector<16xf32>,
      tpu.vector_store %arg7[%parallel_loop3A_229], %parallel_loop3A_198 {strides = array<i32>} : memref<16384xf32, #tpu.memory_space<vmem>>, vector<16xf32>,
      %parallel_loop3A_231 = arith.constant 896 : i32
      %parallel_loop3A_232 = arith.addi %parallel_loop3A_170, %parallel_loop3A_231 : i32
      %parallel_loop3A_233 = arith.index_cast %parallel_loop3A_232 : i32 to index
      %parallel_loop3A_234 = tpu.vector_load %arg7[%parallel_loop3A_233] {strides = array<i32>} : memref<16384xf32, #tpu.memory_space<vmem>>, vector<16xf32>,
      tpu.vector_store %arg7[%parallel_loop3A_233], %parallel_loop3A_202 {strides = array<i32>} : memref<16384xf32, #tpu.memory_space<vmem>>, vector<16xf32>,
    } {sc.loop_unroll_factor = 4 : i64, sc.parallel_access}
    %mul3A_123 = arith.constant 8192 : i32
    %mul3A_124 = arith.muli %sub3A_95, %mul3A_123 : i32
    %dma_start3A_125 = arith.constant 0 : i32
    %dma_start3A_126 = tpu.memref_slice %arg7[%dma_start3A_125] : memref<16384xf32, #tpu.memory_space<vmem>> -> memref<8192xf32, #tpu.memory_space<vmem>>
    %dma_start3A_127 = tpu.memref_slice %arg4[%mul3A_124] : memref<32768000xf32, #tpu.memory_space<hbm>> -> memref<8192xf32, #tpu.memory_space<hbm>>
    %dma_start3A_128 = tpu.memref_slice %arg4[%mul3A_124] : memref<32768000xf32, #tpu.memory_space<hbm>> -> memref<8192xf32, #tpu.memory_space<hbm>>
    %dma_start3A_129 = arith.constant 0 : i32
    %dma_start3A_130 = tpu.memref_slice %arg7[%dma_start3A_129] : memref<16384xf32, #tpu.memory_space<vmem>> -> memref<8192xf32, #tpu.memory_space<vmem>>
    tpu.enqueue_dma source(%dma_start3A_130 : memref<8192xf32, #tpu.memory_space<vmem>>) target(%dma_start3A_128 : memref<8192xf32, #tpu.memory_space<hbm>>) target_semaphore(%arg9 : memref<!tpu.dma_semaphore, #tpu.memory_space<semaphore_mem>>)
    %sub3A_131 = arith.constant 1 : i32
    %sub3A_132 = arith.subi %sub3A_95, %sub3A_131 : i32
    %mul3A_133 = arith.constant 8192 : i32
    %mul3A_134 = arith.muli %sub3A_132, %mul3A_133 : i32
    %dma_wait3A_135 = arith.constant 8192 : i32
    %dma_wait3A_136 = tpu.memref_slice %arg7[%dma_wait3A_135] : memref<16384xf32, #tpu.memory_space<vmem>> -> memref<8192xf32, #tpu.memory_space<vmem>>
    %dma_wait3A_137 = tpu.memref_slice %arg4[%mul3A_134] : memref<32768000xf32, #tpu.memory_space<hbm>> -> memref<8192xf32, #tpu.memory_space<hbm>>
    %dma_wait3A_138 = tpu.memref_slice %arg4[%mul3A_134] : memref<32768000xf32, #tpu.memory_space<hbm>> -> memref<8192xf32, #tpu.memory_space<hbm>>
    %dma_wait3A_139 = arith.constant 8192 : i32
    %dma_wait3A_140 = tpu.memref_slice %arg7[%dma_wait3A_139] : memref<16384xf32, #tpu.memory_space<vmem>> -> memref<8192xf32, #tpu.memory_space<vmem>>
    tpu.wait_dma2 semaphore(%arg9 : memref<!tpu.dma_semaphore, #tpu.memory_space<semaphore_mem>>) src(%dma_wait3A_140 : memref<8192xf32, #tpu.memory_space<vmem>>) dst(%dma_wait3A_138 : memref<8192xf32, #tpu.memory_space<hbm>>)
    %mul3A_141 = arith.constant 8192 : i32
    %mul3A_142 = arith.muli %sub3A_95, %mul3A_141 : i32
    %dma_wait3A_143 = arith.constant 0 : i32
    %dma_wait3A_144 = tpu.memref_slice %arg7[%dma_wait3A_143] : memref<16384xf32, #tpu.memory_space<vmem>> -> memref<8192xf32, #tpu.memory_space<vmem>>
    %dma_wait3A_145 = tpu.memref_slice %arg4[%mul3A_142] : memref<32768000xf32, #tpu.memory_space<hbm>> -> memref<8192xf32, #tpu.memory_space<hbm>>
    %dma_wait3A_146 = tpu.memref_slice %arg4[%mul3A_142] : memref<32768000xf32, #tpu.memory_space<hbm>> -> memref<8192xf32, #tpu.memory_space<hbm>>
    %dma_wait3A_147 = arith.constant 0 : i32
    %dma_wait3A_148 = tpu.memref_slice %arg7[%dma_wait3A_147] : memref<16384xf32, #tpu.memory_space<vmem>> -> memref<8192xf32, #tpu.memory_space<vmem>>
    tpu.wait_dma2 semaphore(%arg9 : memref<!tpu.dma_semaphore, #tpu.memory_space<semaphore_mem>>) src(%dma_wait3A_148 : memref<8192xf32, #tpu.memory_space<vmem>>) dst(%dma_wait3A_146 : memref<8192xf32, #tpu.memory_space<hbm>>)
    return
  }
}

</mosaic_0001>

<sc_bundles>
// kernel: kernel.3.cloned.1.call-start
scs
__scs_entry_jumppad:
0x0: {  	(pc) =	sbr.rel $0x88, $3  }
0x1: {  	(tag) =	ssettag $0x0;
	lr =	simm.s32 $0x1  }
0x2: {  	[smem:$0x3F9F] =	sst lr;
	_ =	strace $0xD0000000  }
0x3: {  	_ = 	snop  }
0x4: {  	_ = 	snop  }
0x5: {  	_ = 	snop  }
0x6: {  	_ = 	snop  }
0x7: {  	_ = 	snop  }
__scs_overlays_trampoline_lowered:
0x8: {  	[smem:$0x3FAE] =	sst s0  }
0x9: {  	[smem:$0x3FAF] =	sst s1  }
0xa: {  	[smem:$0x3FB0] =	sst s2  }
0xb: {  	[smem:$0x3FB1] =	sst s3  }
0xc: {  	[smem:$0x3FB2] =	sst s4  }
0xd: {  	[smem:$0x3FB3] =	sst s5  }
0xe: {  	[smem:$0x3FB4] =	sst s6  }
0xf: {  	[smem:$0x3FB5] =	sst s7  }
0x10: {  	[smem:$0x3FB6] =	sst s8  }
0x11: {  	[smem:$0x3FB7] =	sst s9;
	s0 =	simm.s32 @!p0 $0x0  }
0x12: {  	s1 =	sld [smem:$0x3F9D];
	s0 =	simm.s32 @p0 $0x1  }
0x13: {  	[smem:$0x3FB8] =	sst s0;
	s0 =	simm.s32 @!p1 $0x0  }
0x14: {  	s2 =	sld [smem:$0x3F9C];
	s0 =	simm.s32 @p1 $0x1  }
0x15: {  	[smem:$0x3FB9] =	sst s0;
	s0 =	simm.s32 @!p2 $0x0  }
0x16: {  	s3 =	sld [smem:$0x3FDB];
	s0 =	simm.s32 @p2 $0x1  }
0x17: {  	s4 =	simm.s32 $0x1BF5;
	[smem:$0x3FBB] =	sst s0  }
0x18: {  	s0 =	sld [smem:$0x3F9E];
	_ =	swait.ge [sflag:s4], $0x0  }
0x19: {  	s7 =	sld [smem:$0x3F9F]  }
0x1a: {  	s8 =	sadd.s32 $0xFFFFE003, lr  }
0x1b: {  	s9 =	sadd.s32 $0xFFFFFEF7, lr;
	s5 =	simm.s32 $0xFFFFFFFF;
	p2 =	slt.u32 s8, $0xFFFFF086  }
0x1c: {  	p1 =	slt.u32 s9, $0xF7A;
	s5 =	simm.s32 @!p2 $0x0  }
0x1d: {  	s5 =	simm.s32 @p1 $0x1;
	p0 =	seq.s32 s7, s2  }
0x1e: {  	s7 =	smul.u32 @!p0 $0xF7A, s2;
	p2 =	seq.s32 @!p0 s5, $0x0  }
0x1f: {  	s9 =	smul.u32 $0xF7A, s1;
	s8 =	simm.s32 @!p0 $0x1BF5;
	p2 =	por !p2, p0  }
0x20: {  	[sflag:s8] =	ssyncset.s32 @!p0 $0xFFFFF086;
	s6 =	sadd.s32 @!p0 s3, s7;
	s7 =	simm.s32 @!p0 $0x108  }
0x21: {  	s3 =	sadd.s32 s3, s9;
	s6 =	sadd.s32 @!p0 $0x88, s6;
	s7 =	simm.s32 @p2 $0x1082  }
0x22: {  	[simem:s7], [sflag:s8] =	dma.local @!p0 [hbm:s6], $0xF7A  }
0x23: {  	s9 =	sor.u32 $0xD0000000, s2;
	s6 =	simm.s32 $0x108;
	_ =	swait.ge @!p0 [sflag:s8], $0x0  }
0x24: {  	s3 =	sadd.s32 $0x88, s3;
	s6 =	simm.s32 @!p1 $0x1082;
	[sflag:s4] =	ssyncset.s32 $0xFFFFF086  }
0x25: {  	[simem:s6], [sflag:s4] =	dma.local [hbm:s3], $0xF7A  }
0x26: {  	[smem:$0x3F9F] =	sst s1;
	(tag) =	ssettag s2;
	_ =	strace s9  }
0x27: {  	s1 =	sld [smem:$0x3FAF]  }
0x28: {  	s2 =	sld [smem:$0x3FB0]  }
0x29: {  	s4 =	sld [smem:$0x3FB2]  }
0x2a: {  	p0 =	seq.s32 s5, $0x0;
	s5 =	sld [smem:$0x3FB3]  }
0x2b: {  	s6 =	sld [smem:$0x3FB4]  }
0x2c: {  	s7 =	sld [smem:$0x3FB5]  }
0x2d: {  	s3 =	simm.s32 $0x108;
	s8 =	sld [smem:$0x3FB6]  }
0x2e: {  	s3 =	simm.s32 @!p0 $0x1082;
	s9 =	sld [smem:$0x3FB7]  }
0x2f: {  	lr =	sadd.s32 s0, s3;
	s0 =	sld [smem:$0x3FAE]  }
0x30: {  	s3 =	sld [smem:$0x3FB1]  }
0x31: {  	[smem:$0x3FBA] =	sst s10  }
0x32: {  	s10 =	sld [smem:$0x3FB8];
	_ =	sdelay $0x3  }
0x33: {  	p0 =	seq.s32 s10, $0x1;
	s10 =	sld [smem:$0x3FBA];
	_ =	sdelay $0x3  }
0x34: {  	[smem:$0x3FBA] =	sst s10  }
0x35: {  	s10 =	sld [smem:$0x3FB9];
	_ =	sdelay $0x3  }
0x36: {  	p1 =	seq.s32 s10, $0x1;
	s10 =	sld [smem:$0x3FBA];
	_ =	sdelay $0x3  }
0x37: {  	[smem:$0x3FBA] =	sst s10  }
0x38: {  	s10 =	sld [smem:$0x3FBB]  }
0x39: {  	_ = 	snop;
	(pc) =	sbr.ind lr, $3  }
0x3a: {  	_ = 	snop  }
0x3b: {  	_ = 	snop  }
0x3c: {  	p2 =	seq.s32 s10, $0x1;
	s10 =	sld [smem:$0x3FBA]  }
0x3d: {  	_ =	shalt  }
0x3e: {  	_ =	shalt  }
0x3f: {  	_ =	shalt  }
0x40: {  	_ =	shalt  }
0x41: {  	_ =	shalt  }
0x42: {  	_ =	shalt  }
0x43: {  	_ =	shalt  }
0x44: {  	_ =	shalt  }
0x45: {  	_ =	shalt  }
0x46: {  	_ =	shalt  }
0x47: {  	_ =	shalt  }
0x48: {  	_ =	shalt  }
0x49: {  	_ =	shalt  }
0x4a: {  	_ =	shalt  }
0x4b: {  	_ =	shalt  }
0x4c: {  	_ =	shalt  }
0x4d: {  	_ =	shalt  }
0x4e: {  	_ =	shalt  }
0x4f: {  	_ =	shalt  }
0x50: {  	_ =	shalt  }
0x51: {  	_ =	shalt  }
0x52: {  	_ =	shalt  }
0x53: {  	_ =	shalt  }
0x54: {  	_ =	shalt  }
0x55: {  	_ =	shalt  }
0x56: {  	_ =	shalt  }
0x57: {  	_ =	shalt  }
0x58: {  	_ =	shalt  }
0x59: {  	_ =	shalt  }
0x5a: {  	_ =	shalt  }
0x5b: {  	_ =	shalt  }
0x5c: {  	_ =	shalt  }
0x5d: {  	_ =	shalt  }
0x5e: {  	_ =	shalt  }
0x5f: {  	_ =	shalt  }
0x60: {  	_ =	shalt  }
0x61: {  	_ =	shalt  }
0x62: {  	_ =	shalt  }
0x63: {  	_ =	shalt  }
0x64: {  	_ =	shalt  }
0x65: {  	_ =	shalt  }
0x66: {  	_ =	shalt  }
0x67: {  	_ =	shalt  }
0x68: {  	_ =	shalt  }
0x69: {  	_ =	shalt  }
0x6a: {  	_ =	shalt  }
0x6b: {  	_ =	shalt  }
0x6c: {  	_ =	shalt  }
0x6d: {  	_ =	shalt  }
0x6e: {  	_ =	shalt  }
0x6f: {  	_ =	shalt  }
0x70: {  	_ =	shalt  }
0x71: {  	_ =	shalt  }
0x72: {  	_ =	shalt  }
0x73: {  	_ =	shalt  }
0x74: {  	_ =	shalt  }
0x75: {  	_ =	shalt  }
0x76: {  	_ =	shalt  }
0x77: {  	_ =	shalt  }
0x78: {  	_ =	shalt  }
0x79: {  	_ =	shalt  }
0x7a: {  	_ =	shalt  }
0x7b: {  	_ =	shalt  }
0x7c: {  	_ =	shalt  }
0x7d: {  	_ =	shalt  }
0x7e: {  	_ =	shalt  }
0x7f: {  	_ =	shalt  }
0x80: {  	_ =	shalt  }
0x81: {  	_ =	shalt  }
0x82: {  	_ =	shalt  }
0x83: {  	_ =	shalt  }
0x84: {  	_ =	shalt  }
0x85: {  	_ =	shalt  }
0x86: {  	_ =	shalt  }
0x87: {  	_ =	shalt  }
.Lfunc_end0:
.L_simem_size_0:
called_computation_lowered:
.L_overlay_start_0:
0x88: {  	s2 =	sld [smem:$0x3FD9]  }
0x89: {  	s3 =	sld [smem:$0x3FFE];
	_ =	sdelay $0x1  }
0x8a: {  	s1 =	srdreg.scid  }
0x8b: {  	s0 =	sand.u32 $0x1, s1  }
0x8c: {  	s17 =	sshll.u32 s0, $0xA;
	s2 =	sadd.s32 s3, s2  }
0x8d: {  	s2 =	sadd.s32 s2, s17  }
0x8e: {  	[smem:$0x3FC6] =	sst s2  }
0x8f: {  	_ = 	snop  }
0x90: {  	s2 =	sld [smem:$0x3FC8]  }
0x91: {  	s18 =	sld [smem:$0x3FD0];
	(tm) =	ssettm $0x1  }
0x92: {  	s4 =	sld [smem:$0x3FFB];
	_ =	sdelay $0x3  }
0x93: {  	_ =	strace s4  }
0x94: {  	s4 =	sld [smem:$0x3FFC];
	_ =	sdelay $0x3  }
0x95: {  	_ =	strace s4  }
0x96: {  	s4 =	sld [smem:$0x3FFD];
	_ =	sdelay $0x3  }
0x97: {  	_ =	strace s4  }
0x98: {  	_ =	strace $0x8FFFFFFF  }
0x99: {  	s19 =	sld [smem:$0x3FDB];
	_ =	sdelay $0x1  }
0x9a: {  	s5 =	simm.s32 $_scs_section_size  }
0x9b: {  	s6 =	simm.s32 $_size__tile_overlayer_lowered;
	s7 =	simm.s32 $_tile_overlayer_lowered  }
0x9c: {  	s22 =	simm.s32 $0x1BFF;
	s21 =	sshll.u32 s7, $0x1;
	s4 =	sadd.s32 s5, s19  }
0x9d: {  	s8 =	simm.s32 $0x0;
	s20 =	sshll.u32 s6, $0x1;
	s6 =	sadd.s32 s21, s4  }
0x9e: {  	[timem:s8], [sflag:s22] =	dma.local [hbm:s6], s20  }
0x9f: {  	_ =	swait.ge [sflag:s22], s20  }
0xa0: {  	s5 =	ssub.s32 $0x0, s20;
	[sflag:s22] =	ssyncset.done $0x0  }
0xa1: {  	[sflag:s22] =	ssyncadd.s32 s5;
	_ =	sdelay $0x1  }
0xa2: {  	s23 =	simm.s32 $0x1B8B  }
0xa3: {  	_ =	swait.ge [sflag:s23], $0x1  }
0xa4: {  	[sflag:s23] =	ssyncset.done $0x0  }
0xa5: {  	s25 =	simm.s32 $0x1B8E;
	s24 =	sld [smem:$0x3FFE];
	[sflag:s23] =	ssyncadd.s32 $0xFFFFFFFF  }
0xa6: {  	s26 =	simm.s32 $execute0_lowered;
	[smem:$0x3FD2] =	sst s25  }
0xa7: {  	s6 =	sshll.u32 s26, $0x1;
	_ =	strace $0x80000046;
	[dreg:$0x1] =	wrdreg $0xFFFFFFFF  }
0xa8: {  	s28 =	simm.s32 $_size_execute0_lowered;
	s4 =	sadd.s32 s4, s6;
	[dreg:$0x0] =	wrdreg $0x0  }
0xa9: {  	s6 =	sshll.u32 s28, $0x1;
	[dreg:$0x2] =	wrdreg s4  }
0xaa: {  	[dreg:$0x3] =	wrdreg s6  }
0xab: {  	[dreg:$0x4] =	wrdreg $0xC0  }
0xac: {  	_ =	task [dreg:s8], $0x5FFFF  }
0xad: {  	[dreg:$0x1] =	wrdreg $0xFFFFFFFF  }
0xae: {  	[dreg:$0x0] =	wrdreg $0x60  }
0xaf: {  	[dreg:$0x2] =	wrdreg s24  }
0xb0: {  	[dreg:$0x3] =	wrdreg s2  }
0xb1: {  	[dreg:$0x4] =	wrdreg s18  }
0xb2: {  	[dreg:$0x5] =	wrdreg $0x9  }
0xb3: {  	_ =	task.clear_ibuf [dreg:s8], $0x6FFFF;
	_ =	strace $0x90000046  }
0xb4: {  	s29 =	simm.s32 $0x9;
	_ =	strace $0x80000048  }
0xb5: {  	_ =	swait.ge [sflag:s29], $0x1  }
0xb6: {  	[sflag:s29] =	ssyncadd.s32 $0xFFFFFFFF  }
0xb7: {  	_ =	strace $0x90000048  }
0xb8: {  	_ =	sfence  }
0xb9: {  	s30 =	sld [smem:$0x0];
	_ =	sdelay $0x2  }
0xba: {  	s31 =	sshll.u32 s1, $0xD;
	s1 =	sshrl.u32 s1, $0x2  }
0xbb: {  	s3 =	sand.u32 $0x4000, s31;
	s1 =	sadd.s32 s1, s30  }
0xbc: {  	s0 =	sor.u32 s3, s0;
	s1 =	sshll.u32 s1, $0x11  }
0xbd: {  	s0 =	sor.u32 s1, s0  }
0xbe: {  	s0 =	sadd.s32 $0x8F2B, s0  }
0xbf: {  	[sflag:s0] =	ssyncadd.remote.s32 $0x1  }
0xc0: {  	_ =	sfence.sel $0xFFFF  }
0xc1: {  	[dreg:$0x0] =	wrdreg $0xFFFFFFFF;
	(pc) =	sbr.abs _section_cstart, $3  }
0xc2: {  	[dreg:$0x1] =	wrdreg $0xFFFFFFFF  }
0xc3: {  	_ =	task.clear_ibuf [dreg:s8], $0x2FFFF;
	_ =	strace $0x9FFFFFFF  }
0xc4: {  	(tm) =	ssettm $0x7FFFFFFF  }
0xc5: {  	_ =	shalt  }
tec
execute0_lowered:
.L_overlay_start_1:
0x0: {  	(tag) =	ssettag $0x1  }
0x1: {  	s0 =	rddreg [dreg:$0x0]  }
0x2: {  	s1 =	srdreg.scid;
	s2 =	stileid.u32  }
0x3: {  	s3 =	rddreg [dreg:$0x2];
	s1 =	sand.u32 $0x1, s1;
	s5 =	sshll.u32 s2, $0x1  }
0x4: {  	s4 =	simm.s32 $0x0;
	s14 =	simm.s32 $0x3;
	s8 =	sor.u32 s1, s5  }
0x5: {  	s15 =	simm.s32 $0x1000;
	s16 =	simm.s32 $0x1;
	s5 =	smul.u32 $0x7D, s8  }
0x6: {  	s18 =	simm.s32 $0x1800;
	s21 =	simm.s32 $0x0;
	s9 =	smul.u32 $0xFA0, s8  }
0x7: {  	[smem:$0x7FF] =	sst s4;
	s6 =	sadd.s32 $0x400, s0;
	s10 =	smul.u32 $0x7D00, s8  }
0x8: {  	s1 =	ssub.s32 $0x2, s1;
	_ =	strace $0x80000047;
	s11 =	smul.u32 $0x1F400, s8  }
0x9: {  	s7 =	sshrl.u32 s1, $0x1;
	s12 =	sshll.u32 s8, $0xA;
	s13 =	smul.u32 $0xFA000, s8  }
0xa: {  	s25 =	ssub.s32 s1, s7;
	s19 =	sand.u32 $0xC00, s12;
	s26 =	sadd.s32 $0x1, s5  }
0xb: {  	s28 =	sand.u32 $0x1FF80, s9;
	s10 =	sshrl.u32 s10, $0x3;
	s30 =	sshrl.u32 s13, $0x3  }
0xc: {  	s13 =	smax.u32 s25, $0x1;
	s29 =	sshll.u32 s26, $0x5;
	s7 =	sadd.s32 s6, s28  }
0xd: {  	s10 =	sadd.s32 $0x40, s10;
	s1 =	sshll.u32 s26, $0xA;
	s31 =	sadd.s32 s3, s30  }
0xe: {  	s9 =	sand.u32 $0x3FF80, s29;
	s10 =	sand.u32 $0x3FF80, s10;
	s20 =	sand.u32 $0xC00, s1  }
0xf: {  	s12 =	sadd.s32 $0x1F000, s31;
	s8 =	sadd.s32 s6, s9;
	s9 =	sadd.s32 s3, s11  }
0x10: {  	v0 =	vmov s19;
	s10 =	sadd.s32 s6, s10;
	s11 =	sadd.s32 s3, s1;
	v1 =	vmov s20;
	s20 =	simm.s32 $0x2  }
.LBB2_1:
0x11: {  	s0 =	rddreg [dreg:$0x1]  }
0x12: {  	[tilespmem:s4], [sflag:$0x3] =	stream.linear.gather [hbm4b:s0+s4], $0x1000, $0x38;
	[tilespmem:$0x5800] =	vst v63  }
0x13: {  	_ =	swait.ge [sflag:s14], $0x1000  }
0x14: {  	[sflag:s14] =	ssyncset.done $0x0  }
0x15: {  	[sflag:s14] =	ssyncadd.s32 $0xFFFFF000  }
0x16: {  	[tilespmem:s15], [sflag:$0x1] =	stream.linear.gather [hbm4b:s7+s4], $0x400, $0x38;
	[tilespmem:$0x5800] =	vst v63  }
0x17: {  	_ =	swait.ge [sflag:s16], $0x400  }
0x18: {  	[sflag:s16] =	ssyncset.done $0x0  }
0x19: {  	s25 =	simm.s32 $0x1400;
	s26 =	simm.s32 $0x1020;
	[sflag:s16] =	ssyncadd.s32 $0xFFFFFC00  }
0x1a: {  	[tilespmem:s25], [sflag:$0x1] =	stream.linear.gather [hbm4b:s8+s4], $0x400, $0x38;
	[tilespmem:$0x5800] =	vst v63  }
0x1b: {  	v2 =	vld [tilespmem:s26+$0x10]  }
0x1c: {  	v3 =	vld [tilespmem:s26+$0xFFFFFFF0];
	_ =	sdelay $0x3  }
0x1d: {  	v5 =	vadd.s32 v0, v2  }
0x1e: {  	v7 =	vld [tilespmem:s26+$0xFFFFFFE0];
	v6 =	vadd.s32 v0, v3;
	v2 =	vand.u32 $0x7, v2;
	v4 =	vand.u32 $0xFFFFFFF8, v5  }
0x1f: {  	v8 =	vor.u32 v2, v4  }
0x20: {  	v9 =	vadd.s32 $0x380, v8  }
0x21: {  	v10 =	vadd.s32 $0x80, v8  }
0x22: {  	v11 =	vld [tilespmem:s26+$0x0];
	v12 =	vadd.s32 $0x100, v8  }
0x23: {  	v2 =	vadd.s32 v0, v7;
	v13 =	vadd.s32 $0x180, v8;
	v4 =	vld.idx.msk [tilespmem:v6+s4+$0x0], $0xffff  }
0x24: {  	v7 =	vand.u32 $0x7, v7;
	v15 =	vand.u32 $0xFFFFFFF8, v2;
	v16 =	vadd.s32 $0x280, v8;
	v14 =	vld.idx.msk [tilespmem:v5+s4+$0x0], $0xffff  }
0x25: {  	v15 =	vor.u32 v7, v15;
	v7 =	vadd.s32 $0x300, v8;
	v17 =	vld.idx.msk [tilespmem:v9+s4+$0x0], $0xffff  }
0x26: {  	v5 =	vadd.s32 $0x200, v8;
	v18 =	vld.idx.msk [tilespmem:v10+s4+$0x0], $0xffff  }
0x27: {  	v8 =	vadd.s32 $0x80, v15;
	v12 =	vld.idx.msk [tilespmem:v12+s4+$0x0], $0xffff  }
0x28: {  	v19 =	vadd.s32 $0x180, v15;
	v13 =	vld.idx.msk [tilespmem:v13+s4+$0x0], $0xffff  }
0x29: {  	v3 =	vand.u32 $0x7, v3;
	v6 =	vand.u32 $0xFFFFFFF8, v6;
	v21 =	vadd.s32 $0x280, v15;
	v16 =	vld.idx.msk [tilespmem:v16+s4+$0x0], $0xffff  }
0x2a: {  	v23 =	vor.u32 v3, v6;
	v10 =	vadd.s32 $0x100, v15;
	v22 =	vld.idx.msk [tilespmem:v7+s4+$0x0], $0xffff  }
0x2b: {  	v24 =	vadd.s32 $0x80, v23;
	v20 =	vld.idx.msk [tilespmem:v5+s4+$0x0], $0xffff  }
0x2c: {  	v5 =	vadd.s32 $0x200, v15;
	v9 =	vld.idx.msk [tilespmem:v8+s4+$0x0], $0xffff  }
0x2d: {  	s22 =	simm.s32 $0x30;
	s29 =	sand.u32 $0x1C00, s4;
	v3 =	vadd.s32 $0x300, v15;
	v8 =	vld.idx.msk [tilespmem:v19+s4+$0x0], $0xffff  }
0x2e: {  	s0 =	sadd.s32 $0x1800, s29;
	s1 =	sand.u32 $0x70, s22;
	v25 =	vadd.s32 $0x100, v23;
	v6 =	vld.idx.msk [tilespmem:v21+s4+$0x0], $0xffff  }
0x2f: {  	s23 =	sor.u32 s1, s0;
	v19 =	vadd.s32 $0x180, v23;
	v10 =	vld.idx.msk [tilespmem:v10+s4+$0x0], $0xffff  }
0x30: {  	v26 =	vadd.s32 $0x200, v23;
	[tilespmem:s23+$0x80] =	vst v18;
	v18 =	vld.idx.msk [tilespmem:v24+s4+$0x0], $0xffff  }
0x31: {  	v21 =	vadd.s32 $0x280, v23;
	v7 =	vld.idx.msk [tilespmem:v5+s4+$0x0], $0xffff  }
0x32: {  	[tilespmem:s23+$0x380] =	vst v17;
	v17 =	vadd.s32 $0x300, v23;
	v5 =	vld.idx.msk [tilespmem:v3+s4+$0x0], $0xffff;
	v3 =	vadd.s32 v0, v11  }
0x33: {  	v23 =	vadd.s32 $0x380, v23;
	[tilespmem:s23+$0x100] =	vst v12;
	v12 =	vld.idx.msk [tilespmem:v25+s4+$0x0], $0xffff;
	v11 =	vand.u32 $0x7, v11;
	v61 =	vand.u32 $0xFFFFFFF8, v3  }
0x34: {  	[tilespmem:s23+$0x0] =	vst v14;
	v62 =	vld.idx.msk [tilespmem:v19+s4+$0x0], $0xffff;
	v24 =	vor.u32 v11, v61;
	v11 =	vadd.s32 $0x380, v15  }
0x35: {  	[tilespmem:s23+$0x180] =	vst v13;
	v19 =	vld.idx.msk [tilespmem:v26+s4+$0x0], $0xffff;
	v13 =	vadd.s32 $0x80, v24  }
0x36: {  	s30 =	simm.s32 $0x10;
	[tilespmem:s23+$0x200] =	vst v20;
	v20 =	vld.idx.msk [tilespmem:v21+s4+$0x0], $0xffff;
	v63 =	vadd.s32 $0x100, v24  }
0x37: {  	s1 =	sand.u32 $0x50, s30;
	[tilespmem:s23+$0x280] =	vst v16;
	v21 =	vld.idx.msk [tilespmem:v17+s4+$0x0], $0xffff  }
0x38: {  	s1 =	sor.u32 s1, s0;
	[tilespmem:s23+$0x300] =	vst v22;
	v22 =	vld.idx.msk [tilespmem:v23+s4+$0x0], $0xffff  }
0x39: {  	s24 =	simm.s32 $0x0;
	s31 =	simm.s32 $0x20;
	s28 =	simm.s32 $0x0;
	[tilespmem:s1+$0x80] =	vst v18;
	v11 =	vld.idx.msk [tilespmem:v11+s4+$0x0], $0xffff  }
0x3a: {  	s24 =	sand.u32 $0x40, s24;
	s25 =	simm.s32 $0x0;
	s26 =	sand.u32 $0x60, s31;
	v16 =	vadd.s32 $0x180, v24;
	v18 =	vadd.s32 $0x200, v24;
	[tilespmem:s1+$0x100] =	vst v12;
	v13 =	vld.idx.msk [tilespmem:v13+s4+$0x0], $0xffff  }
0x3b: {  	s23 =	sor.u32 s24, s0;
	s24 =	sor.u32 s26, s0;
	s26 =	simm.s32 $0x1060;
	v17 =	vadd.s32 $0x280, v24;
	v14 =	vadd.s32 $0x300, v24;
	v15 =	vadd.s32 $0x380, v24;
	[tilespmem:s1+$0x180] =	vst v62;
	v12 =	vld.idx.msk [tilespmem:v63+s4+$0x0], $0xffff  }
.LBB2_2:
0x3c: {  	v23 =	vld [tilespmem:s26+$0x10];
	s25 =	sadd.s32 $0x4, s25;
	[tilespmem:s1+$0x200] =	vst v19  }
0x3d: {  	v19 =	vld [tilespmem:s26+$0xFFFFFFF0];
	p0 =	slt.u32 s25, $0x3C;
	[tilespmem:s1+$0x280] =	vst v20  }
0x3e: {  	v20 =	vld [tilespmem:s26+$0x0];
	[tilespmem:s1+$0x300] =	vst v21  }
0x3f: {  	v21 =	vld [tilespmem:s26+$0xFFFFFFE0];
	[tilespmem:s1+$0x380] =	vst v22  }
0x40: {  	[tilespmem:s1+$0x0] =	vst v4;
	v22 =	vld.idx.msk [tilespmem:v16+s4+$0x0], $0xffff  }
0x41: {  	v16 =	vadd.s32 v0, v23;
	v24 =	vld.idx.msk [tilespmem:v18+s4+$0x0], $0xffff  }
0x42: {  	v23 =	vand.u32 $0x7, v23;
	v4 =	vadd.s32 v0, v19;
	v18 =	vand.u32 $0xFFFFFFF8, v16;
	v17 =	vld.idx.msk [tilespmem:v17+s4+$0x0], $0xffff  }
0x43: {  	v25 =	vand.u32 $0xFFFFFFF8, v4;
	v26 =	vadd.s32 v0, v20;
	v18 =	vor.u32 v23, v18;
	v23 =	vld.idx.msk [tilespmem:v14+s4+$0x0], $0xffff  }
0x44: {  	v14 =	vadd.s32 v0, v21;
	v27 =	vand.u32 $0xFFFFFFF8, v26;
	v28 =	vadd.s32 $0x380, v18;
	v29 =	vld.idx.msk [tilespmem:v15+s4+$0x0], $0xffff  }
0x45: {  	v21 =	vand.u32 $0x7, v21;
	v30 =	vadd.s32 $0x80, v18;
	v15 =	vand.u32 $0xFFFFFFF8, v14;
	v31 =	vld.idx.msk [tilespmem:v2+s4+$0x0], $0xffff;
	[tilespmem:s23+$0x80] =	vst v9;
	v2 =	vmovc v14  }
0x46: {  	v9 =	vand.u32 $0x7, v19;
	v14 =	vand.u32 $0x7, v20;
	v19 =	vadd.s32 $0x100, v18;
	[tilespmem:s23+$0x100] =	vst v10;
	v32 =	vld.idx.msk [tilespmem:v3+s4+$0x0], $0xffff;
	v3 =	vmovc v26  }
0x47: {  	v10 =	vor.u32 v21, v15;
	v9 =	vor.u32 v9, v25;
	v15 =	vadd.s32 $0x180, v18;
	v4 =	vld.idx.msk [tilespmem:v4+s4+$0x0], $0xffff;
	[tilespmem:s23+$0x180] =	vst v8  }
0x48: {  	v20 =	vor.u32 v14, v27;
	v14 =	vadd.s32 $0x200, v18;
	v8 =	vadd.s32 $0x80, v10;
	v25 =	vld.idx.msk [tilespmem:v16+s4+$0x0], $0xffff;
	[tilespmem:s23+$0x200] =	vst v7  }
0x49: {  	v26 =	vadd.s32 $0x280, v18;
	v21 =	vadd.s32 $0x180, v10;
	v7 =	vadd.s32 $0x100, v10;
	v27 =	vld.idx.msk [tilespmem:v28+s4+$0x0], $0xffff;
	[tilespmem:s23+$0x280] =	vst v6  }
0x4a: {  	v33 =	vadd.s32 $0x300, v18;
	v6 =	vadd.s32 $0x200, v10;
	v28 =	vadd.s32 $0x280, v10;
	v30 =	vld.idx.msk [tilespmem:v30+s4+$0x0], $0xffff;
	[tilespmem:s23+$0x300] =	vst v5  }
0x4b: {  	s28 =	sadd.s32 $0x200, s28;
	v34 =	vadd.s32 $0x380, v10;
	v35 =	vadd.s32 $0x80, v9;
	v5 =	vadd.s32 $0x300, v10;
	v19 =	vld.idx.msk [tilespmem:v19+s4+$0x0], $0xffff;
	[tilespmem:s23+$0x380] =	vst v11  }
0x4c: {  	s22 =	sadd.s32 $0x40, s22;
	s0 =	sand.u32 $0x1C00, s28;
	v36 =	vadd.s32 $0x100, v9;
	v37 =	vadd.s32 $0x180, v9;
	v38 =	vadd.s32 $0x200, v9;
	v39 =	vld.idx.msk [tilespmem:v15+s4+$0x0], $0xffff;
	[tilespmem:s24+$0x80] =	vst v13  }
0x4d: {  	s29 =	sand.u32 $0x70, s22;
	s0 =	sadd.s32 $0x1800, s0;
	s1 =	sadd.s32 $0xFFFFFFD0, s22;
	v40 =	vadd.s32 $0x300, v9;
	v41 =	vadd.s32 $0x380, v9;
	v13 =	vadd.s32 $0x280, v9;
	v42 =	vld.idx.msk [tilespmem:v14+s4+$0x0], $0xffff;
	[tilespmem:s24+$0x280] =	vst v17  }
0x4e: {  	s30 =	sadd.s32 $0xFFFFFFE0, s22;
	s31 =	sadd.s32 $0xFFFFFFF0, s22;
	s29 =	sor.u32 s29, s0;
	v43 =	vadd.s32 $0x80, v20;
	v44 =	vadd.s32 $0x100, v20;
	v16 =	vadd.s32 $0x180, v20;
	v26 =	vld.idx.msk [tilespmem:v26+s4+$0x0], $0xffff;
	[tilespmem:s24+$0x100] =	vst v12  }
0x4f: {  	s30 =	sand.u32 $0x50, s30;
	s31 =	sand.u32 $0x60, s31;
	s1 =	sand.u32 $0x40, s1;
	v18 =	vadd.s32 $0x200, v20;
	v17 =	vadd.s32 $0x280, v20;
	v14 =	vadd.s32 $0x300, v20;
	v12 =	vld.idx.msk [tilespmem:v33+s4+$0x0], $0xffff;
	[tilespmem:s29+$0x380] =	vst v27  }
0x50: {  	s2 =	sor.u32 s1, s0;
	s1 =	sor.u32 s30, s0;
	s0 =	sor.u32 s31, s0;
	v15 =	vadd.s32 $0x380, v20;
	v9 =	vld.idx.msk [tilespmem:v8+s4+$0x0], $0xffff;
	[tilespmem:s24+$0x180] =	vst v22  }
0x51: {  	v10 =	vld.idx.msk [tilespmem:v7+s4+$0x0], $0xffff;
	[tilespmem:s24+$0x200] =	vst v24  }
0x52: {  	v8 =	vld.idx.msk [tilespmem:v21+s4+$0x0], $0xffff;
	[tilespmem:s24+$0x300] =	vst v23  }
0x53: {  	v7 =	vld.idx.msk [tilespmem:v6+s4+$0x0], $0xffff;
	[tilespmem:s24+$0x380] =	vst v29  }
0x54: {  	v6 =	vld.idx.msk [tilespmem:v28+s4+$0x0], $0xffff;
	[tilespmem:s29+$0x80] =	vst v30  }
0x55: {  	v5 =	vld.idx.msk [tilespmem:v5+s4+$0x0], $0xffff;
	[tilespmem:s29+$0x100] =	vst v19  }
0x56: {  	v11 =	vld.idx.msk [tilespmem:v34+s4+$0x0], $0xffff;
	[tilespmem:s29+$0x180] =	vst v39  }
0x57: {  	v23 =	vld.idx.msk [tilespmem:v35+s4+$0x0], $0xffff;
	[tilespmem:s29+$0x200] =	vst v42  }
0x58: {  	v24 =	vld.idx.msk [tilespmem:v36+s4+$0x0], $0xffff;
	[tilespmem:s29+$0x280] =	vst v26  }
0x59: {  	v26 =	vld.idx.msk [tilespmem:v37+s4+$0x0], $0xffff;
	[tilespmem:s29+$0x300] =	vst v12  }
0x5a: {  	v19 =	vld.idx.msk [tilespmem:v38+s4+$0x0], $0xffff;
	[tilespmem:s23+$0x0] =	vst v31;
	s23 =	smov.u32 s2  }
.Ltmp0:
0x5b: {  	v20 =	vld.idx.msk [tilespmem:v13+s4+$0x0], $0xffff;
	[tilespmem:s24+$0x0] =	vst v32;
	s24 =	smov.u32 s0;
	(pc) =	sbr.rel @p0 .LBB2_2-.Ltmp0, $4  }
0x5c: {  	v21 =	vld.idx.msk [tilespmem:v40+s4+$0x0], $0xffff;
	[tilespmem:s29+$0x0] =	vst v25  }
0x5d: {  	v22 =	vld.idx.msk [tilespmem:v41+s4+$0x0], $0xffff;
	[tilespmem:s1+$0x80] =	vst v23  }
0x5e: {  	[tilespmem:s1+$0x100] =	vst v24;
	v13 =	vld.idx.msk [tilespmem:v43+s4+$0x0], $0xffff  }
0x5f: {  	s26 =	sadd.s32 $0x40, s26;
	[tilespmem:s1+$0x180] =	vst v26;
	v12 =	vld.idx.msk [tilespmem:v44+s4+$0x0], $0xffff  }
0x60: {  	_ = 	snop  }
0x61: {  	[tilespmem:s1+$0x200] =	vst v19  }
0x62: {  	[tilespmem:s1+$0x280] =	vst v20  }
0x63: {  	[tilespmem:s1+$0x0] =	vst v4  }
0x64: {  	v2 =	vld.idx.msk [tilespmem:v2+s4+$0x0], $0xffff;
	[tilespmem:s23+$0x80] =	vst v9  }
0x65: {  	[tilespmem:s23+$0x100] =	vst v10  }
0x66: {  	[tilespmem:s23+$0x180] =	vst v8  }
0x67: {  	[tilespmem:s23+$0x200] =	vst v7  }
0x68: {  	v4 =	vld.idx.msk [tilespmem:v16+s4+$0x0], $0xffff;
	[tilespmem:s23+$0x280] =	vst v6  }
0x69: {  	v9 =	vld.idx.msk [tilespmem:v18+s4+$0x0], $0xffff;
	[tilespmem:s23+$0x300] =	vst v5  }
0x6a: {  	v8 =	vld.idx.msk [tilespmem:v17+s4+$0x0], $0xffff;
	[tilespmem:s23+$0x380] =	vst v11  }
0x6b: {  	v7 =	vld.idx.msk [tilespmem:v14+s4+$0x0], $0xffff;
	[tilespmem:s1+$0x300] =	vst v21  }
0x6c: {  	v6 =	vld.idx.msk [tilespmem:v15+s4+$0x0], $0xffff;
	[tilespmem:s1+$0x380] =	vst v22  }
0x6d: {  	v3 =	vld.idx.msk [tilespmem:v3+s4+$0x0], $0xffff;
	[tilespmem:s24+$0x80] =	vst v13  }
0x6e: {  	[tilespmem:s24+$0x100] =	vst v12  }
0x6f: {  	[tilespmem:s24+$0x280] =	vst v8  }
0x70: {  	[tilespmem:s24+$0x180] =	vst v4  }
0x71: {  	[tilespmem:s24+$0x200] =	vst v9  }
0x72: {  	[tilespmem:s24+$0x300] =	vst v7  }
0x73: {  	[tilespmem:s24+$0x380] =	vst v6  }
0x74: {  	[tilespmem:s23+$0x0] =	vst v2  }
0x75: {  	s22 =	simm.s32 $0x0;
	[tilespmem:s24+$0x0] =	vst v3  }
0x76: {  	[hbm4b:s9+s22] =	stream.linear.scatter [tilespmem:s18], [sflag:$0x2], $0x2000, $0x38;
	[tilespmem:$0x5800] =	vst v63  }
0x77: {  	_ =	swait.ge [sflag:s16], $0x400  }
0x78: {  	[sflag:s16] =	ssyncset.done $0x0  }
0x79: {  	s0 =	simm.s32 $0x1430;
	[sflag:s16] =	ssyncadd.s32 $0xFFFFFC00  }
0x7a: {  	[tilespmem:s15], [sflag:$0x1] =	stream.linear.gather [hbm4b:s10+s22], $0x400, $0x38;
	[tilespmem:$0x5800] =	vst v63  }
0x7b: {  	v2 =	vld [tilespmem:s0+$0x0]  }
0x7c: {  	v3 =	vld [tilespmem:s0+$0xFFFFFFE0];
	_ =	sdelay $0x3  }
0x7d: {  	v5 =	vadd.s32 v1, v2  }
0x7e: {  	v6 =	vadd.s32 v1, v3;
	v2 =	vand.u32 $0x7, v2;
	v4 =	vand.u32 $0xFFFFFFF8, v5  }
0x7f: {  	v7 =	vld [tilespmem:s0+$0xFFFFFFD0];
	v8 =	vor.u32 v2, v4  }
0x80: {  	v9 =	vadd.s32 $0x380, v8  }
0x81: {  	v10 =	vadd.s32 $0x80, v8  }
0x82: {  	v12 =	vld [tilespmem:s0+$0xFFFFFFF0];
	v11 =	vadd.s32 $0x100, v8  }
0x83: {  	v13 =	vadd.s32 $0x180, v8;
	v4 =	vld.idx.msk [tilespmem:v6+s4+$0x0], $0xffff  }
0x84: {  	v2 =	vadd.s32 v1, v7;
	v14 =	vadd.s32 $0x200, v8;
	v5 =	vld.idx.msk [tilespmem:v5+s4+$0x0], $0xffff  }
0x85: {  	v7 =	vand.u32 $0x7, v7;
	v15 =	vand.u32 $0xFFFFFFF8, v2;
	v16 =	vadd.s32 $0x280, v8;
	v17 =	vld.idx.msk [tilespmem:v9+s4+$0x0], $0xffff  }
0x86: {  	v15 =	vor.u32 v7, v15;
	v7 =	vadd.s32 $0x300, v8;
	v18 =	vld.idx.msk [tilespmem:v10+s4+$0x0], $0xffff  }
0x87: {  	v8 =	vadd.s32 $0x80, v15;
	v19 =	vld.idx.msk [tilespmem:v11+s4+$0x0], $0xffff  }
0x88: {  	v21 =	vadd.s32 $0x200, v15;
	v13 =	vld.idx.msk [tilespmem:v13+s4+$0x0], $0xffff  }
0x89: {  	v9 =	vadd.s32 $0x100, v15;
	v14 =	vld.idx.msk [tilespmem:v14+s4+$0x0], $0xffff  }
0x8a: {  	v20 =	vadd.s32 $0x180, v15;
	v16 =	vld.idx.msk [tilespmem:v16+s4+$0x0], $0xffff  }
0x8b: {  	v3 =	vand.u32 $0x7, v3;
	v6 =	vand.u32 $0xFFFFFFF8, v6;
	v22 =	vadd.s32 $0x280, v15;
	v23 =	vld.idx.msk [tilespmem:v7+s4+$0x0], $0xffff  }
0x8c: {  	v24 =	vor.u32 v3, v6;
	v3 =	vadd.s32 $0x300, v15;
	v10 =	vld.idx.msk [tilespmem:v8+s4+$0x0], $0xffff  }
0x8d: {  	v25 =	vadd.s32 $0x80, v24;
	v8 =	vld.idx.msk [tilespmem:v21+s4+$0x0], $0xffff  }
0x8e: {  	v26 =	vadd.s32 $0x100, v24;
	v11 =	vld.idx.msk [tilespmem:v9+s4+$0x0], $0xffff  }
0x8f: {  	s25 =	sand.u32 $0x1C00, s22;
	s23 =	simm.s32 $0x30;
	v9 =	vld.idx.msk [tilespmem:v20+s4+$0x0], $0xffff;
	v20 =	vadd.s32 $0x180, v24  }
0x90: {  	s26 =	sand.u32 $0x70, s23;
	s0 =	sadd.s32 $0x1800, s25;
	v21 =	vadd.s32 $0x200, v24;
	v7 =	vld.idx.msk [tilespmem:v22+s4+$0x0], $0xffff  }
0x91: {  	s29 =	sor.u32 s26, s0;
	v22 =	vadd.s32 $0x280, v24;
	v6 =	vld.idx.msk [tilespmem:v3+s4+$0x0], $0xffff  }
0x92: {  	v27 =	vadd.s32 $0x300, v24;
	v3 =	vadd.s32 v1, v12;
	[tilespmem:s29+$0x2380] =	vst v17;
	v17 =	vld.idx.msk [tilespmem:v25+s4+$0x0], $0xffff  }
0x93: {  	v12 =	vand.u32 $0x7, v12;
	v62 =	vand.u32 $0xFFFFFFF8, v3;
	v24 =	vadd.s32 $0x380, v24;
	[tilespmem:s29+$0x2080] =	vst v18;
	v18 =	vld.idx.msk [tilespmem:v26+s4+$0x0], $0xffff  }
0x94: {  	v25 =	vor.u32 v12, v62;
	v12 =	vadd.s32 $0x380, v15;
	[tilespmem:s29+$0x2100] =	vst v19;
	v63 =	vld.idx.msk [tilespmem:v20+s4+$0x0], $0xffff  }
0x95: {  	[tilespmem:s29+$0x2180] =	vst v13;
	v15 =	vadd.s32 $0x80, v25;
	v20 =	vld.idx.msk [tilespmem:v21+s4+$0x0], $0xffff  }
0x96: {  	s30 =	simm.s32 $0x10;
	[tilespmem:s29+$0x2200] =	vst v14;
	v13 =	vadd.s32 $0x100, v25;
	v21 =	vld.idx.msk [tilespmem:v22+s4+$0x0], $0xffff  }
0x97: {  	s1 =	sand.u32 $0x50, s30;
	[tilespmem:s29+$0x2280] =	vst v16;
	v22 =	vld.idx.msk [tilespmem:v27+s4+$0x0], $0xffff  }
0x98: {  	s1 =	sor.u32 s1, s0;
	[tilespmem:s29+$0x2300] =	vst v23;
	v23 =	vld.idx.msk [tilespmem:v24+s4+$0x0], $0xffff  }
0x99: {  	s2 =	simm.s32 $0x0;
	s31 =	simm.s32 $0x20;
	v12 =	vld.idx.msk [tilespmem:v12+s4+$0x0], $0xffff;
	[tilespmem:s1+$0x2080] =	vst v17  }
0x9a: {  	s28 =	simm.s32 $0x1470;
	s2 =	sand.u32 $0x40, s2;
	s25 =	sand.u32 $0x60, s31;
	v19 =	vadd.s32 $0x200, v25;
	v16 =	vadd.s32 $0x380, v25;
	[tilespmem:s1+$0x2100] =	vst v18;
	v14 =	vld.idx.msk [tilespmem:v15+s4+$0x0], $0xffff  }
0x9b: {  	s26 =	simm.s32 $0x0;
	s24 =	sor.u32 s2, s0;
	s25 =	sor.u32 s25, s0;
	v17 =	vadd.s32 $0x180, v25;
	v18 =	vadd.s32 $0x280, v25;
	v15 =	vadd.s32 $0x300, v25;
	v13 =	vld.idx.msk [tilespmem:v13+s4+$0x0], $0xffff;
	[tilespmem:s1+$0x2180] =	vst v63  }
.LBB2_4:
0x9c: {  	v24 =	vld [tilespmem:s28+$0x0];
	s26 =	sadd.s32 $0x4, s26;
	[tilespmem:s1+$0x2200] =	vst v20  }
0x9d: {  	v20 =	vld [tilespmem:s28+$0xFFFFFFE0];
	p0 =	slt.u32 s26, $0x3C;
	[tilespmem:s1+$0x2280] =	vst v21  }
0x9e: {  	v21 =	vld [tilespmem:s28+$0xFFFFFFF0];
	[tilespmem:s1+$0x2300] =	vst v22  }
0x9f: {  	v22 =	vld [tilespmem:s28+$0xFFFFFFD0];
	[tilespmem:s1+$0x2380] =	vst v23  }
0xa0: {  	[tilespmem:s1+$0x2000] =	vst v4;
	v23 =	vld.idx.msk [tilespmem:v17+s4+$0x0], $0xffff  }
0xa1: {  	v17 =	vadd.s32 v1, v24;
	v25 =	vld.idx.msk [tilespmem:v19+s4+$0x0], $0xffff;
	[tilespmem:s29+$0x2000] =	vst v5  }
0xa2: {  	v19 =	vand.u32 $0x7, v24;
	v4 =	vadd.s32 v1, v20;
	v5 =	vand.u32 $0xFFFFFFF8, v17;
	v24 =	vld.idx.msk [tilespmem:v18+s4+$0x0], $0xffff  }
0xa3: {  	v18 =	vand.u32 $0xFFFFFFF8, v4;
	v26 =	vadd.s32 v1, v21;
	v19 =	vor.u32 v19, v5;
	v27 =	vld.idx.msk [tilespmem:v15+s4+$0x0], $0xffff  }
0xa4: {  	v5 =	vadd.s32 v1, v22;
	v15 =	vand.u32 $0xFFFFFFF8, v26;
	v28 =	vadd.s32 $0x380, v19;
	v29 =	vld.idx.msk [tilespmem:v16+s4+$0x0], $0xffff  }
0xa5: {  	v22 =	vand.u32 $0x7, v22;
	v30 =	vadd.s32 $0x80, v19;
	v16 =	vand.u32 $0xFFFFFFF8, v5;
	v31 =	vld.idx.msk [tilespmem:v2+s4+$0x0], $0xffff;
	[tilespmem:s24+$0x2080] =	vst v10;
	v2 =	vmovc v5  }
0xa6: {  	v5 =	vand.u32 $0x7, v20;
	v10 =	vand.u32 $0x7, v21;
	v20 =	vadd.s32 $0x100, v19;
	[tilespmem:s24+$0x2100] =	vst v11;
	v32 =	vld.idx.msk [tilespmem:v3+s4+$0x0], $0xffff;
	v3 =	vmovc v26  }
0xa7: {  	v11 =	vor.u32 v22, v16;
	v16 =	vor.u32 v5, v18;
	v18 =	vadd.s32 $0x180, v19;
	v4 =	vld.idx.msk [tilespmem:v4+s4+$0x0], $0xffff;
	[tilespmem:s24+$0x2180] =	vst v9  }
0xa8: {  	v21 =	vor.u32 v10, v15;
	v10 =	vadd.s32 $0x200, v19;
	v9 =	vadd.s32 $0x80, v11;
	v5 =	vld.idx.msk [tilespmem:v17+s4+$0x0], $0xffff;
	[tilespmem:s24+$0x2200] =	vst v8  }
0xa9: {  	v15 =	vadd.s32 $0x280, v19;
	v22 =	vadd.s32 $0x180, v11;
	v8 =	vadd.s32 $0x100, v11;
	v26 =	vld.idx.msk [tilespmem:v28+s4+$0x0], $0xffff;
	[tilespmem:s24+$0x2280] =	vst v7  }
0xaa: {  	v33 =	vadd.s32 $0x300, v19;
	v7 =	vadd.s32 $0x200, v11;
	v28 =	vadd.s32 $0x280, v11;
	v30 =	vld.idx.msk [tilespmem:v30+s4+$0x0], $0xffff;
	[tilespmem:s24+$0x2300] =	vst v6  }
0xab: {  	s22 =	sadd.s32 $0x200, s22;
	v34 =	vadd.s32 $0x380, v11;
	v35 =	vadd.s32 $0x80, v16;
	v6 =	vadd.s32 $0x300, v11;
	v20 =	vld.idx.msk [tilespmem:v20+s4+$0x0], $0xffff;
	[tilespmem:s24+$0x2380] =	vst v12  }
0xac: {  	s23 =	sadd.s32 $0x40, s23;
	s0 =	sand.u32 $0x1C00, s22;
	v36 =	vadd.s32 $0x100, v16;
	v37 =	vadd.s32 $0x180, v16;
	v38 =	vadd.s32 $0x200, v16;
	v39 =	vld.idx.msk [tilespmem:v18+s4+$0x0], $0xffff;
	[tilespmem:s25+$0x2080] =	vst v14  }
0xad: {  	s2 =	sand.u32 $0x70, s23;
	s0 =	sadd.s32 $0x1800, s0;
	s1 =	sadd.s32 $0xFFFFFFD0, s23;
	v40 =	vadd.s32 $0x300, v16;
	v41 =	vadd.s32 $0x380, v16;
	v14 =	vadd.s32 $0x280, v16;
	v42 =	vld.idx.msk [tilespmem:v10+s4+$0x0], $0xffff  }
0xae: {  	s30 =	sadd.s32 $0xFFFFFFE0, s23;
	s31 =	sadd.s32 $0xFFFFFFF0, s23;
	s29 =	sor.u32 s2, s0;
	v43 =	vadd.s32 $0x80, v21;
	v44 =	vadd.s32 $0x100, v21;
	v17 =	vadd.s32 $0x180, v21;
	v45 =	vld.idx.msk [tilespmem:v15+s4+$0x0], $0xffff;
	[tilespmem:s25+$0x2100] =	vst v13  }
0xaf: {  	s1 =	sand.u32 $0x40, s1;
	s2 =	sand.u32 $0x50, s30;
	s30 =	sand.u32 $0x60, s31;
	v19 =	vadd.s32 $0x200, v21;
	v18 =	vadd.s32 $0x280, v21;
	v15 =	vadd.s32 $0x300, v21;
	v13 =	vld.idx.msk [tilespmem:v33+s4+$0x0], $0xffff;
	[tilespmem:s29+$0x2380] =	vst v26  }
0xb0: {  	s31 =	sor.u32 s1, s0;
	s1 =	sor.u32 s2, s0;
	s0 =	sor.u32 s30, s0;
	v16 =	vadd.s32 $0x380, v21;
	v10 =	vld.idx.msk [tilespmem:v9+s4+$0x0], $0xffff;
	[tilespmem:s25+$0x2180] =	vst v23  }
0xb1: {  	v11 =	vld.idx.msk [tilespmem:v8+s4+$0x0], $0xffff;
	[tilespmem:s25+$0x2200] =	vst v25  }
0xb2: {  	v9 =	vld.idx.msk [tilespmem:v22+s4+$0x0], $0xffff;
	[tilespmem:s25+$0x2280] =	vst v24  }
0xb3: {  	v8 =	vld.idx.msk [tilespmem:v7+s4+$0x0], $0xffff;
	[tilespmem:s25+$0x2300] =	vst v27  }
0xb4: {  	v7 =	vld.idx.msk [tilespmem:v28+s4+$0x0], $0xffff;
	[tilespmem:s25+$0x2380] =	vst v29  }
0xb5: {  	v6 =	vld.idx.msk [tilespmem:v6+s4+$0x0], $0xffff;
	[tilespmem:s29+$0x2080] =	vst v30  }
0xb6: {  	v12 =	vld.idx.msk [tilespmem:v34+s4+$0x0], $0xffff;
	[tilespmem:s29+$0x2100] =	vst v20  }
0xb7: {  	v24 =	vld.idx.msk [tilespmem:v35+s4+$0x0], $0xffff;
	[tilespmem:s29+$0x2180] =	vst v39  }
0xb8: {  	v25 =	vld.idx.msk [tilespmem:v36+s4+$0x0], $0xffff;
	[tilespmem:s29+$0x2200] =	vst v42  }
0xb9: {  	v26 =	vld.idx.msk [tilespmem:v37+s4+$0x0], $0xffff;
	[tilespmem:s29+$0x2280] =	vst v45  }
0xba: {  	v20 =	vld.idx.msk [tilespmem:v38+s4+$0x0], $0xffff;
	[tilespmem:s29+$0x2300] =	vst v13  }
.Ltmp1:
0xbb: {  	v21 =	vld.idx.msk [tilespmem:v14+s4+$0x0], $0xffff;
	[tilespmem:s24+$0x2000] =	vst v31;
	s24 =	smov.u32 s31;
	(pc) =	sbr.rel @p0 .LBB2_4-.Ltmp1, $4  }
0xbc: {  	v22 =	vld.idx.msk [tilespmem:v40+s4+$0x0], $0xffff;
	[tilespmem:s25+$0x2000] =	vst v32;
	s25 =	smov.u32 s0  }
0xbd: {  	v23 =	vld.idx.msk [tilespmem:v41+s4+$0x0], $0xffff;
	[tilespmem:s1+$0x2080] =	vst v24  }
0xbe: {  	[tilespmem:s1+$0x2100] =	vst v25;
	v14 =	vld.idx.msk [tilespmem:v43+s4+$0x0], $0xffff  }
0xbf: {  	s28 =	sadd.s32 $0x40, s28;
	[tilespmem:s1+$0x2180] =	vst v26;
	v13 =	vld.idx.msk [tilespmem:v44+s4+$0x0], $0xffff  }
0xc0: {  	[tilespmem:s1+$0x2200] =	vst v20  }
0xc1: {  	[tilespmem:s1+$0x2280] =	vst v21  }
0xc2: {  	[tilespmem:s1+$0x2000] =	vst v4  }
0xc3: {  	[tilespmem:s29+$0x2000] =	vst v5  }
0xc4: {  	v2 =	vld.idx.msk [tilespmem:v2+s4+$0x0], $0xffff;
	[tilespmem:s24+$0x2080] =	vst v10  }
0xc5: {  	[tilespmem:s24+$0x2100] =	vst v11  }
0xc6: {  	[tilespmem:s24+$0x2180] =	vst v9  }
0xc7: {  	[tilespmem:s24+$0x2200] =	vst v8  }
0xc8: {  	v59 =	vld.idx.msk [tilespmem:v17+s4+$0x0], $0xffff;
	[tilespmem:s24+$0x2280] =	vst v7  }
0xc9: {  	v60 =	vld.idx.msk [tilespmem:v19+s4+$0x0], $0xffff;
	[tilespmem:s24+$0x2300] =	vst v6  }
0xca: {  	v61 =	vld.idx.msk [tilespmem:v18+s4+$0x0], $0xffff;
	[tilespmem:s24+$0x2380] =	vst v12  }
0xcb: {  	v62 =	vld.idx.msk [tilespmem:v15+s4+$0x0], $0xffff;
	[tilespmem:s1+$0x2300] =	vst v22  }
0xcc: {  	v63 =	vld.idx.msk [tilespmem:v16+s4+$0x0], $0xffff;
	[tilespmem:s1+$0x2380] =	vst v23  }
0xcd: {  	v3 =	vld.idx.msk [tilespmem:v3+s4+$0x0], $0xffff;
	[tilespmem:s25+$0x2080] =	vst v14  }
0xce: {  	[tilespmem:s25+$0x2100] =	vst v13  }
0xcf: {  	[tilespmem:s25+$0x2180] =	vst v59  }
0xd0: {  	[tilespmem:s25+$0x2200] =	vst v60  }
0xd1: {  	[tilespmem:s25+$0x2280] =	vst v61  }
0xd2: {  	[tilespmem:s25+$0x2300] =	vst v62  }
0xd3: {  	[tilespmem:s25+$0x2380] =	vst v63  }
0xd4: {  	[tilespmem:s24+$0x2000] =	vst v2  }
0xd5: {  	s0 =	simm.s32 $0x3800;
	s22 =	simm.s32 $0x2;
	p0 =	por $0x0, $0x0;
	[tilespmem:s25+$0x2000] =	vst v3  }
0xd6: {  	[hbm4b:s11+s4] =	stream.linear.scatter [tilespmem:s0], [sflag:$0x2], $0x2000, $0x38;
	[tilespmem:$0x5800] =	vst v63  }
.LBB2_6:
0xd7: {  	s0 =	simm.s32 $0x1;
	s1 =	sadd.s32 s5, s22  }
0xd8: {  	s2 =	sand.u32 $0x1, s22;
	_ =	swait.ge [sflag:s16], $0x400;
	s23 =	sshll.u32 s1, $0x5  }
0xd9: {  	s24 =	sshll.u32 s2, $0xA;
	[sflag:s16] =	ssyncset.done $0x0;
	s23 =	sadd.s32 $0x20, s23  }
0xda: {  	[sflag:s16] =	ssyncadd.s32 $0xFFFFFC00;
	s24 =	sxor.u32 $0x400, s24;
	s23 =	sand.u32 $0x1FFFFF80, s23  }
0xdb: {  	s25 =	sor.u32 $0x1000, s24;
	s24 =	simm.s32 $0x0;
	s23 =	sadd.s32 s6, s23  }
0xdc: {  	[tilespmem:s25], [sflag:$0x1] =	stream.linear.gather [hbm4b:s23+s24], $0x400, $0x38;
	[tilespmem:$0x5800] =	vst v63  }
0xdd: {  	s0 =	simm.s32 @!p0 $0x0;
	_ =	swait.ge [sflag:s20], $0x2000  }
0xde: {  	s0 =	sshll.u32 s0, $0xA;
	[sflag:s20] =	ssyncset.done $0x0  }
0xdf: {  	s31 =	sor.u32 $0x1020, s0;
	[sflag:s20] =	ssyncadd.s32 $0xFFFFE000  }
0xe0: {  	v3 =	vld [tilespmem:s31+$0x10]  }
0xe1: {  	v4 =	vld [tilespmem:s31+$0xFFFFFFF0]  }
0xe2: {  	s23 =	sshll.u32 s1, $0xA  }
0xe3: {  	s1 =	sand.u32 $0xC00, s23  }
0xe4: {  	v2 =	vmov s1  }
0xe5: {  	v5 =	vadd.s32 v2, v3  }
0xe6: {  	v9 =	vld [tilespmem:s31+$0xFFFFFFE0];
	v8 =	vadd.s32 v2, v4;
	v3 =	vand.u32 $0x7, v3;
	v6 =	vand.u32 $0xFFFFFFF8, v5  }
0xe7: {  	v10 =	vor.u32 v3, v6  }
0xe8: {  	v11 =	vadd.s32 $0x380, v10  }
0xe9: {  	v12 =	vadd.s32 $0x80, v10  }
0xea: {  	v14 =	vld [tilespmem:s31+$0x0];
	v13 =	vadd.s32 $0x100, v10  }
0xeb: {  	v3 =	vadd.s32 v2, v9;
	v15 =	vadd.s32 $0x180, v10;
	v6 =	vld.idx.msk [tilespmem:v8+s4+$0x0], $0xffff  }
0xec: {  	v9 =	vand.u32 $0x7, v9;
	v16 =	vand.u32 $0xFFFFFFF8, v3;
	v17 =	vadd.s32 $0x280, v10;
	v7 =	vld.idx.msk [tilespmem:v5+s4+$0x0], $0xffff  }
0xed: {  	v16 =	vor.u32 v9, v16;
	v9 =	vadd.s32 $0x300, v10;
	v18 =	vld.idx.msk [tilespmem:v11+s4+$0x0], $0xffff  }
0xee: {  	v5 =	vadd.s32 $0x200, v10;
	v19 =	vld.idx.msk [tilespmem:v12+s4+$0x0], $0xffff  }
0xef: {  	v10 =	vadd.s32 $0x80, v16;
	v20 =	vld.idx.msk [tilespmem:v13+s4+$0x0], $0xffff  }
0xf0: {  	v4 =	vand.u32 $0x7, v4;
	v8 =	vand.u32 $0xFFFFFFF8, v8;
	v22 =	vadd.s32 $0x280, v16;
	v15 =	vld.idx.msk [tilespmem:v15+s4+$0x0], $0xffff  }
0xf1: {  	v24 =	vor.u32 v4, v8;
	v8 =	vadd.s32 $0x300, v16;
	v17 =	vld.idx.msk [tilespmem:v17+s4+$0x0], $0xffff  }
0xf2: {  	v27 =	vadd.s32 $0x100, v24;
	v25 =	vld.idx.msk [tilespmem:v9+s4+$0x0], $0xffff  }
0xf3: {  	v11 =	vadd.s32 $0x100, v16;
	v23 =	vld.idx.msk [tilespmem:v5+s4+$0x0], $0xffff  }
0xf4: {  	s25 =	sshll.u32 s2, $0xD;
	v21 =	vadd.s32 $0x180, v16;
	v12 =	vld.idx.msk [tilespmem:v10+s4+$0x0], $0xffff  }
0xf5: {  	v4 =	vmov s25;
	v5 =	vadd.s32 $0x200, v16;
	v9 =	vld.idx.msk [tilespmem:v22+s4+$0x0], $0xffff  }
0xf6: {  	v26 =	vadd.s32 $0x80, v24;
	v8 =	vld.idx.msk [tilespmem:v8+s4+$0x0], $0xffff  }
0xf7: {  	s26 =	simm.s32 $0x30;
	s2 =	sand.u32 $0x1C00, s24;
	v30 =	vadd.s32 $0x300, v24;
	v27 =	vld.idx.msk [tilespmem:v27+s4+$0x0], $0xffff  }
0xf8: {  	s17 =	sand.u32 $0x70, s26;
	s15 =	sadd.s32 $0x1800, s2;
	v28 =	vadd.s32 $0x200, v24;
	v13 =	vld.idx.msk [tilespmem:v11+s4+$0x0], $0xffff  }
0xf9: {  	s1 =	sor.u32 s17, s15;
	v11 =	vld.idx.msk [tilespmem:v21+s4+$0x0], $0xffff;
	v21 =	vadd.s32 $0x180, v24  }
0xfa: {  	v29 =	vadd.s32 $0x280, v24;
	[tilespmem:v4+s1+$0x380 ss:$0x1] =	vst.idx.msk $0xffff, v18;
	v10 =	vld.idx.msk [tilespmem:v5+s4+$0x0], $0xffff;
	v5 =	vadd.s32 v2, v14  }
0xfb: {  	v18 =	vld.idx.msk [tilespmem:v26+s4+$0x0], $0xffff;
	v26 =	vadd.s32 $0x380, v24;
	[tilespmem:v4+s1+$0x80 ss:$0x1] =	vst.idx.msk $0xffff, v19;
	v14 =	vand.u32 $0x7, v14;
	v22 =	vand.u32 $0xFFFFFFF8, v5  }
0xfc: {  	v24 =	vld.idx.msk [tilespmem:v30+s4+$0x0], $0xffff;
	[tilespmem:v4+s1+$0x100 ss:$0x1] =	vst.idx.msk $0xffff, v20;
	v31 =	vor.u32 v14, v22;
	v14 =	vadd.s32 $0x380, v16  }
0xfd: {  	[tilespmem:v4+s1+$0x180 ss:$0x1] =	vst.idx.msk $0xffff, v15;
	v22 =	vld.idx.msk [tilespmem:v28+s4+$0x0], $0xffff;
	v16 =	vadd.s32 $0x80, v31  }
0xfe: {  	s19 =	simm.s32 $0x10;
	[tilespmem:v4+s1+$0x200 ss:$0x1] =	vst.idx.msk $0xffff, v23;
	v32 =	vld.idx.msk [tilespmem:v21+s4+$0x0], $0xffff;
	v15 =	vadd.s32 $0x100, v31  }
0xff: {  	s0 =	sand.u32 $0x50, s19;
	v23 =	vld.idx.msk [tilespmem:v29+s4+$0x0], $0xffff;
	[tilespmem:v4+s1+$0x280 ss:$0x1] =	vst.idx.msk $0xffff, v17  }
0x100: {  	s0 =	sor.u32 s0, s15;
	[tilespmem:v4+s1+$0x300 ss:$0x1] =	vst.idx.msk $0xffff, v25;
	v25 =	vld.idx.msk [tilespmem:v26+s4+$0x0], $0xffff  }
0x101: {  	s28 =	simm.s32 $0x0;
	s29 =	simm.s32 $0x20;
	[tilespmem:v4+s0+$0x80 ss:$0x1] =	vst.idx.msk $0xffff, v18;
	v14 =	vld.idx.msk [tilespmem:v14+s4+$0x0], $0xffff  }
0x102: {  	s30 =	simm.s32 $0x0;
	s28 =	sand.u32 $0x40, s28;
	s29 =	sand.u32 $0x60, s29;
	v19 =	vadd.s32 $0x180, v31;
	v20 =	vadd.s32 $0x200, v31;
	[tilespmem:v4+s0+$0x100 ss:$0x1] =	vst.idx.msk $0xffff, v27;
	v16 =	vld.idx.msk [tilespmem:v16+s4+$0x0], $0xffff  }
0x103: {  	s28 =	sor.u32 s28, s15;
	s29 =	sor.u32 s29, s15;
	s31 =	sadd.s32 $0x40, s31;
	v21 =	vadd.s32 $0x280, v31;
	v17 =	vadd.s32 $0x300, v31;
	v18 =	vadd.s32 $0x380, v31;
	[tilespmem:v4+s0+$0x180 ss:$0x1] =	vst.idx.msk $0xffff, v32;
	v15 =	vld.idx.msk [tilespmem:v15+s4+$0x0], $0xffff  }
.LBB2_7:
0x104: {  	v26 =	vld [tilespmem:s31+$0x10];
	s30 =	sadd.s32 $0x4, s30;
	[tilespmem:v4+s0+$0x200 ss:$0x1] =	vst.idx.msk $0xffff, v22  }
0x105: {  	v22 =	vld [tilespmem:s31+$0xFFFFFFF0];
	p1 =	slt.u32 s30, $0x3C;
	[tilespmem:v4+s0+$0x280 ss:$0x1] =	vst.idx.msk $0xffff, v23  }
0x106: {  	v23 =	vld [tilespmem:s31+$0x0];
	[tilespmem:v4+s0+$0x300 ss:$0x1] =	vst.idx.msk $0xffff, v24  }
0x107: {  	v24 =	vld [tilespmem:s31+$0xFFFFFFE0];
	[tilespmem:v4+s0+$0x380 ss:$0x1] =	vst.idx.msk $0xffff, v25  }
0x108: {  	[tilespmem:v4+s0+$0x0 ss:$0x1] =	vst.idx.msk $0xffff, v6;
	v25 =	vld.idx.msk [tilespmem:v19+s4+$0x0], $0xffff  }
0x109: {  	v19 =	vadd.s32 v2, v26;
	v27 =	vld.idx.msk [tilespmem:v20+s4+$0x0], $0xffff;
	[tilespmem:v4+s1+$0x0 ss:$0x1] =	vst.idx.msk $0xffff, v7  }
0x10a: {  	v20 =	vand.u32 $0x7, v26;
	v6 =	vadd.s32 v2, v22;
	v7 =	vand.u32 $0xFFFFFFF8, v19;
	v21 =	vld.idx.msk [tilespmem:v21+s4+$0x0], $0xffff  }
0x10b: {  	v26 =	vand.u32 $0xFFFFFFF8, v6;
	v28 =	vadd.s32 v2, v23;
	v20 =	vor.u32 v20, v7;
	v29 =	vld.idx.msk [tilespmem:v17+s4+$0x0], $0xffff  }
0x10c: {  	v7 =	vadd.s32 v2, v24;
	v17 =	vand.u32 $0xFFFFFFF8, v28;
	v30 =	vadd.s32 $0x380, v20;
	v31 =	vld.idx.msk [tilespmem:v18+s4+$0x0], $0xffff  }
0x10d: {  	v24 =	vand.u32 $0x7, v24;
	v32 =	vadd.s32 $0x80, v20;
	v18 =	vand.u32 $0xFFFFFFF8, v7;
	v33 =	vld.idx.msk [tilespmem:v3+s4+$0x0], $0xffff;
	[tilespmem:v4+s28+$0x80 ss:$0x1] =	vst.idx.msk $0xffff, v12;
	v3 =	vmovc v7  }
0x10e: {  	v7 =	vand.u32 $0x7, v22;
	v12 =	vand.u32 $0x7, v23;
	v22 =	vadd.s32 $0x100, v20;
	[tilespmem:v4+s28+$0x100 ss:$0x1] =	vst.idx.msk $0xffff, v13;
	v34 =	vld.idx.msk [tilespmem:v5+s4+$0x0], $0xffff;
	v5 =	vmovc v28  }
0x10f: {  	v23 =	vadd.s32 $0x180, v20;
	v13 =	vor.u32 v24, v18;
	v18 =	vor.u32 v7, v26;
	v6 =	vld.idx.msk [tilespmem:v6+s4+$0x0], $0xffff  }
0x110: {  	v26 =	vor.u32 v12, v17;
	v12 =	vadd.s32 $0x200, v20;
	v24 =	vadd.s32 $0x80, v13;
	v7 =	vld.idx.msk [tilespmem:v19+s4+$0x0], $0xffff;
	[tilespmem:v4+s28+$0x180 ss:$0x1] =	vst.idx.msk $0xffff, v11  }
0x111: {  	v17 =	vadd.s32 $0x280, v20;
	v28 =	vadd.s32 $0x180, v13;
	v11 =	vadd.s32 $0x100, v13;
	v30 =	vld.idx.msk [tilespmem:v30+s4+$0x0], $0xffff;
	[tilespmem:v4+s28+$0x200 ss:$0x1] =	vst.idx.msk $0xffff, v10  }
0x112: {  	v36 =	vadd.s32 $0x300, v20;
	v35 =	vadd.s32 $0x280, v13;
	v10 =	vadd.s32 $0x200, v13;
	v32 =	vld.idx.msk [tilespmem:v32+s4+$0x0], $0xffff;
	[tilespmem:v4+s28+$0x280 ss:$0x1] =	vst.idx.msk $0xffff, v9  }
0x113: {  	s24 =	sadd.s32 $0x200, s24;
	v37 =	vadd.s32 $0x300, v13;
	v38 =	vadd.s32 $0x380, v13;
	v39 =	vadd.s32 $0x80, v18;
	v22 =	vld.idx.msk [tilespmem:v22+s4+$0x0], $0xffff;
	[tilespmem:v4+s28+$0x300 ss:$0x1] =	vst.idx.msk $0xffff, v8  }
0x114: {  	s26 =	sadd.s32 $0x40, s26;
	s0 =	sand.u32 $0x1C00, s24;
	v40 =	vadd.s32 $0x100, v18;
	v41 =	vadd.s32 $0x180, v18;
	v42 =	vadd.s32 $0x200, v18;
	v23 =	vld.idx.msk [tilespmem:v23+s4+$0x0], $0xffff;
	[tilespmem:v4+s28+$0x380 ss:$0x1] =	vst.idx.msk $0xffff, v14  }
0x115: {  	s2 =	sadd.s32 $0xFFFFFFD0, s26;
	s17 =	sadd.s32 $0x1800, s0;
	s0 =	sand.u32 $0x70, s26;
	v43 =	vadd.s32 $0x280, v18;
	v44 =	vadd.s32 $0x300, v18;
	v45 =	vadd.s32 $0x380, v18;
	v46 =	vld.idx.msk [tilespmem:v12+s4+$0x0], $0xffff;
	[tilespmem:v4+s29+$0x280 ss:$0x1] =	vst.idx.msk $0xffff, v21  }
0x116: {  	s19 =	sadd.s32 $0xFFFFFFE0, s26;
	s15 =	sadd.s32 $0xFFFFFFF0, s26;
	s1 =	sor.u32 s0, s17;
	v47 =	vadd.s32 $0x80, v26;
	v48 =	vadd.s32 $0x100, v26;
	v19 =	vadd.s32 $0x180, v26;
	v49 =	vld.idx.msk [tilespmem:v17+s4+$0x0], $0xffff;
	[tilespmem:v4+s29+$0x80 ss:$0x1] =	vst.idx.msk $0xffff, v16  }
0x117: {  	s15 =	sand.u32 $0x60, s15;
	s0 =	sand.u32 $0x40, s2;
	s2 =	sand.u32 $0x50, s19;
	v20 =	vadd.s32 $0x200, v26;
	v21 =	vadd.s32 $0x280, v26;
	v17 =	vadd.s32 $0x300, v26;
	v16 =	vld.idx.msk [tilespmem:v36+s4+$0x0], $0xffff;
	[tilespmem:v4+s1+$0x380 ss:$0x1] =	vst.idx.msk $0xffff, v30  }
0x118: {  	s19 =	sor.u32 s0, s17;
	s0 =	sor.u32 s2, s17;
	s2 =	sor.u32 s15, s17;
	v18 =	vadd.s32 $0x380, v26;
	v12 =	vld.idx.msk [tilespmem:v24+s4+$0x0], $0xffff;
	[tilespmem:v4+s29+$0x100 ss:$0x1] =	vst.idx.msk $0xffff, v15  }
0x119: {  	v13 =	vld.idx.msk [tilespmem:v11+s4+$0x0], $0xffff;
	[tilespmem:v4+s29+$0x180 ss:$0x1] =	vst.idx.msk $0xffff, v25  }
0x11a: {  	v11 =	vld.idx.msk [tilespmem:v28+s4+$0x0], $0xffff;
	[tilespmem:v4+s29+$0x200 ss:$0x1] =	vst.idx.msk $0xffff, v27  }
0x11b: {  	v10 =	vld.idx.msk [tilespmem:v10+s4+$0x0], $0xffff;
	[tilespmem:v4+s29+$0x300 ss:$0x1] =	vst.idx.msk $0xffff, v29  }
0x11c: {  	v9 =	vld.idx.msk [tilespmem:v35+s4+$0x0], $0xffff;
	[tilespmem:v4+s29+$0x380 ss:$0x1] =	vst.idx.msk $0xffff, v31  }
0x11d: {  	v8 =	vld.idx.msk [tilespmem:v37+s4+$0x0], $0xffff;
	[tilespmem:v4+s1+$0x80 ss:$0x1] =	vst.idx.msk $0xffff, v32  }
0x11e: {  	v14 =	vld.idx.msk [tilespmem:v38+s4+$0x0], $0xffff;
	[tilespmem:v4+s1+$0x100 ss:$0x1] =	vst.idx.msk $0xffff, v22  }
0x11f: {  	v15 =	vld.idx.msk [tilespmem:v39+s4+$0x0], $0xffff;
	[tilespmem:v4+s1+$0x180 ss:$0x1] =	vst.idx.msk $0xffff, v23  }
0x120: {  	v26 =	vld.idx.msk [tilespmem:v40+s4+$0x0], $0xffff;
	[tilespmem:v4+s1+$0x200 ss:$0x1] =	vst.idx.msk $0xffff, v46  }
0x121: {  	v27 =	vld.idx.msk [tilespmem:v41+s4+$0x0], $0xffff;
	[tilespmem:v4+s1+$0x280 ss:$0x1] =	vst.idx.msk $0xffff, v49  }
0x122: {  	v22 =	vld.idx.msk [tilespmem:v42+s4+$0x0], $0xffff;
	[tilespmem:v4+s1+$0x300 ss:$0x1] =	vst.idx.msk $0xffff, v16  }
.Ltmp2:
0x123: {  	v23 =	vld.idx.msk [tilespmem:v43+s4+$0x0], $0xffff;
	[tilespmem:v4+s28+$0x0 ss:$0x1] =	vst.idx.msk $0xffff, v33;
	s28 =	smov.u32 s19;
	(pc) =	sbr.rel @p1 .LBB2_7-.Ltmp2, $4  }
0x124: {  	v24 =	vld.idx.msk [tilespmem:v44+s4+$0x0], $0xffff;
	[tilespmem:v4+s29+$0x0 ss:$0x1] =	vst.idx.msk $0xffff, v34;
	s29 =	smov.u32 s2  }
0x125: {  	v25 =	vld.idx.msk [tilespmem:v45+s4+$0x0], $0xffff;
	[tilespmem:v4+s0+$0x80 ss:$0x1] =	vst.idx.msk $0xffff, v15  }
0x126: {  	[tilespmem:v4+s0+$0x100 ss:$0x1] =	vst.idx.msk $0xffff, v26;
	v16 =	vld.idx.msk [tilespmem:v47+s4+$0x0], $0xffff  }
0x127: {  	s31 =	sadd.s32 $0x40, s31;
	[tilespmem:v4+s0+$0x180 ss:$0x1] =	vst.idx.msk $0xffff, v27;
	v15 =	vld.idx.msk [tilespmem:v48+s4+$0x0], $0xffff  }
0x128: {  	_ =	sdelay $0x3  }
0x129: {  	[tilespmem:v4+s0+$0x200 ss:$0x1] =	vst.idx.msk $0xffff, v22  }
0x12a: {  	[tilespmem:v4+s1+$0x0 ss:$0x1] =	vst.idx.msk $0xffff, v7  }
0x12b: {  	v2 =	vld.idx.msk [tilespmem:v3+s4+$0x0], $0xffff;
	[tilespmem:v4+s28+$0x80 ss:$0x1] =	vst.idx.msk $0xffff, v12  }
0x12c: {  	[tilespmem:v4+s0+$0x280 ss:$0x1] =	vst.idx.msk $0xffff, v23  }
0x12d: {  	[tilespmem:v4+s28+$0x100 ss:$0x1] =	vst.idx.msk $0xffff, v13  }
0x12e: {  	[tilespmem:v4+s0+$0x300 ss:$0x1] =	vst.idx.msk $0xffff, v24  }
0x12f: {  	[tilespmem:v4+s28+$0x180 ss:$0x1] =	vst.idx.msk $0xffff, v11  }
0x130: {  	v60 =	vld.idx.msk [tilespmem:v21+s4+$0x0], $0xffff;
	[tilespmem:v4+s0+$0x380 ss:$0x1] =	vst.idx.msk $0xffff, v25  }
0x131: {  	v3 =	vld.idx.msk [tilespmem:v19+s4+$0x0], $0xffff;
	[tilespmem:v4+s28+$0x200 ss:$0x1] =	vst.idx.msk $0xffff, v10  }
0x132: {  	v61 =	vld.idx.msk [tilespmem:v20+s4+$0x0], $0xffff;
	[tilespmem:v4+s0+$0x0 ss:$0x1] =	vst.idx.msk $0xffff, v6  }
0x133: {  	v62 =	vld.idx.msk [tilespmem:v17+s4+$0x0], $0xffff;
	[tilespmem:v4+s28+$0x280 ss:$0x1] =	vst.idx.msk $0xffff, v9  }
0x134: {  	v63 =	vld.idx.msk [tilespmem:v18+s4+$0x0], $0xffff;
	[tilespmem:v4+s28+$0x300 ss:$0x1] =	vst.idx.msk $0xffff, v8  }
0x135: {  	v5 =	vld.idx.msk [tilespmem:v5+s4+$0x0], $0xffff;
	[tilespmem:v4+s29+$0x280 ss:$0x1] =	vst.idx.msk $0xffff, v60  }
0x136: {  	[tilespmem:v4+s28+$0x380 ss:$0x1] =	vst.idx.msk $0xffff, v14  }
0x137: {  	[tilespmem:v4+s29+$0x80 ss:$0x1] =	vst.idx.msk $0xffff, v16  }
0x138: {  	[tilespmem:v4+s29+$0x100 ss:$0x1] =	vst.idx.msk $0xffff, v15  }
0x139: {  	s22 =	sadd.s32 $0x1, s22;
	[tilespmem:v4+s28+$0x0 ss:$0x1] =	vst.idx.msk $0xffff, v2  }
0x13a: {  	p1 =	sne.s32 s22, $0x7C;
	[tilespmem:v4+s29+$0x180 ss:$0x1] =	vst.idx.msk $0xffff, v3  }
.Ltmp3:
0x13b: {  	[tilespmem:v4+s29+$0x200 ss:$0x1] =	vst.idx.msk $0xffff, v61;
	(pc) =	sbr.rel @p1 .LBB2_6-.Ltmp3, $4  }
0x13c: {  	[tilespmem:v4+s29+$0x300 ss:$0x1] =	vst.idx.msk $0xffff, v62  }
0x13d: {  	s30 =	sand.u32 $0x1FFFFC00, s23;
	[tilespmem:v4+s29+$0x380 ss:$0x1] =	vst.idx.msk $0xffff, v63  }
0x13e: {  	s31 =	sor.u32 $0x1800, s25;
	p0 =	por !p0, !p0;
	s0 =	sadd.s32 s3, s30;
	[tilespmem:v4+s29+$0x0 ss:$0x1] =	vst.idx.msk $0xffff, v5  }
0x13f: {  	[hbm4b:s0+s4] =	stream.linear.scatter [tilespmem:s31], [sflag:$0x2], $0x2000, $0x38;
	[tilespmem:$0x5800] =	vst v63  }
0x140: {  	_ =	swait.ge [sflag:s16], $0x400  }
0x141: {  	[sflag:s16] =	ssyncset.done $0x0  }
0x142: {  	[sflag:s16] =	ssyncadd.s32 $0xFFFFFC00  }
0x143: {  	_ =	swait.ge [sflag:s20], $0x2000  }
0x144: {  	[sflag:s20] =	ssyncset.done $0x0  }
0x145: {  	s0 =	simm.s32 $0x1020;
	[sflag:s20] =	ssyncadd.s32 $0xFFFFE000  }
0x146: {  	v2 =	vld [tilespmem:s0+$0x10]  }
0x147: {  	v3 =	vld [tilespmem:s0+$0xFFFFFFF0];
	_ =	sdelay $0x3  }
0x148: {  	v5 =	vadd.s32 v0, v2  }
0x149: {  	v7 =	vld [tilespmem:s0+$0xFFFFFFE0];
	v6 =	vadd.s32 v0, v3;
	v2 =	vand.u32 $0x7, v2;
	v4 =	vand.u32 $0xFFFFFFF8, v5  }
0x14a: {  	v8 =	vor.u32 v2, v4  }
0x14b: {  	v9 =	vadd.s32 $0x380, v8  }
0x14c: {  	v10 =	vadd.s32 $0x80, v8  }
0x14d: {  	v11 =	vld [tilespmem:s0+$0x0];
	v12 =	vadd.s32 $0x100, v8  }
0x14e: {  	v2 =	vadd.s32 v0, v7;
	v13 =	vadd.s32 $0x180, v8;
	v4 =	vld.idx.msk [tilespmem:v6+s4+$0x0], $0xffff  }
0x14f: {  	v7 =	vand.u32 $0x7, v7;
	v15 =	vand.u32 $0xFFFFFFF8, v2;
	v16 =	vadd.s32 $0x280, v8;
	v14 =	vld.idx.msk [tilespmem:v5+s4+$0x0], $0xffff  }
0x150: {  	v15 =	vor.u32 v7, v15;
	v7 =	vadd.s32 $0x300, v8;
	v17 =	vld.idx.msk [tilespmem:v9+s4+$0x0], $0xffff  }
0x151: {  	v5 =	vadd.s32 $0x200, v8;
	v18 =	vld.idx.msk [tilespmem:v10+s4+$0x0], $0xffff  }
0x152: {  	v8 =	vadd.s32 $0x80, v15;
	v12 =	vld.idx.msk [tilespmem:v12+s4+$0x0], $0xffff  }
0x153: {  	v19 =	vadd.s32 $0x180, v15;
	v13 =	vld.idx.msk [tilespmem:v13+s4+$0x0], $0xffff  }
0x154: {  	v3 =	vand.u32 $0x7, v3;
	v6 =	vand.u32 $0xFFFFFFF8, v6;
	v21 =	vadd.s32 $0x280, v15;
	v16 =	vld.idx.msk [tilespmem:v16+s4+$0x0], $0xffff  }
0x155: {  	v23 =	vor.u32 v3, v6;
	v10 =	vadd.s32 $0x100, v15;
	v22 =	vld.idx.msk [tilespmem:v7+s4+$0x0], $0xffff  }
0x156: {  	v24 =	vadd.s32 $0x80, v23;
	v20 =	vld.idx.msk [tilespmem:v5+s4+$0x0], $0xffff  }
0x157: {  	s22 =	simm.s32 $0x0;
	v5 =	vadd.s32 $0x200, v15;
	v9 =	vld.idx.msk [tilespmem:v8+s4+$0x0], $0xffff  }
0x158: {  	s23 =	simm.s32 $0x30;
	s26 =	sand.u32 $0x1C00, s22;
	v3 =	vadd.s32 $0x300, v15;
	v8 =	vld.idx.msk [tilespmem:v19+s4+$0x0], $0xffff  }
0x159: {  	s29 =	sand.u32 $0x70, s23;
	s1 =	sadd.s32 $0x1800, s26;
	v25 =	vadd.s32 $0x100, v23;
	v6 =	vld.idx.msk [tilespmem:v21+s4+$0x0], $0xffff  }
0x15a: {  	s2 =	sor.u32 s29, s1;
	v19 =	vadd.s32 $0x180, v23;
	v10 =	vld.idx.msk [tilespmem:v10+s4+$0x0], $0xffff  }
0x15b: {  	v26 =	vadd.s32 $0x200, v23;
	[tilespmem:s2+$0x80] =	vst v18;
	v18 =	vld.idx.msk [tilespmem:v24+s4+$0x0], $0xffff  }
0x15c: {  	v21 =	vadd.s32 $0x280, v23;
	v7 =	vld.idx.msk [tilespmem:v5+s4+$0x0], $0xffff  }
0x15d: {  	[tilespmem:s2+$0x380] =	vst v17;
	v17 =	vadd.s32 $0x300, v23;
	v5 =	vld.idx.msk [tilespmem:v3+s4+$0x0], $0xffff;
	v3 =	vadd.s32 v0, v11  }
0x15e: {  	v23 =	vadd.s32 $0x380, v23;
	[tilespmem:s2+$0x100] =	vst v12;
	v12 =	vld.idx.msk [tilespmem:v25+s4+$0x0], $0xffff;
	v11 =	vand.u32 $0x7, v11;
	v61 =	vand.u32 $0xFFFFFFF8, v3  }
0x15f: {  	[tilespmem:s2+$0x0] =	vst v14;
	v62 =	vld.idx.msk [tilespmem:v19+s4+$0x0], $0xffff;
	v24 =	vor.u32 v11, v61;
	v11 =	vadd.s32 $0x380, v15  }
0x160: {  	[tilespmem:s2+$0x180] =	vst v13;
	v19 =	vld.idx.msk [tilespmem:v26+s4+$0x0], $0xffff;
	v13 =	vadd.s32 $0x80, v24  }
0x161: {  	s30 =	simm.s32 $0x10;
	[tilespmem:s2+$0x200] =	vst v20;
	v20 =	vld.idx.msk [tilespmem:v21+s4+$0x0], $0xffff;
	v63 =	vadd.s32 $0x100, v24  }
0x162: {  	s0 =	sand.u32 $0x50, s30;
	[tilespmem:s2+$0x280] =	vst v16;
	v21 =	vld.idx.msk [tilespmem:v17+s4+$0x0], $0xffff  }
0x163: {  	s0 =	sor.u32 s0, s1;
	[tilespmem:s2+$0x300] =	vst v22;
	v22 =	vld.idx.msk [tilespmem:v23+s4+$0x0], $0xffff  }
0x164: {  	s31 =	simm.s32 $0x0;
	s15 =	simm.s32 $0x20;
	[tilespmem:s0+$0x80] =	vst v18;
	v11 =	vld.idx.msk [tilespmem:v11+s4+$0x0], $0xffff  }
0x165: {  	s28 =	simm.s32 $0x1060;
	s15 =	sand.u32 $0x60, s15;
	s2 =	sand.u32 $0x40, s31;
	v15 =	vadd.s32 $0x180, v24;
	v18 =	vadd.s32 $0x200, v24;
	[tilespmem:s0+$0x100] =	vst v12;
	v13 =	vld.idx.msk [tilespmem:v13+s4+$0x0], $0xffff  }
0x166: {  	s26 =	simm.s32 $0x0;
	s25 =	sor.u32 s15, s1;
	s24 =	sor.u32 s2, s1;
	v17 =	vadd.s32 $0x280, v24;
	v14 =	vadd.s32 $0x300, v24;
	v16 =	vadd.s32 $0x380, v24;
	[tilespmem:s0+$0x180] =	vst v62;
	v12 =	vld.idx.msk [tilespmem:v63+s4+$0x0], $0xffff  }
.LBB2_10:
0x167: {  	v23 =	vld [tilespmem:s28+$0x10];
	s26 =	sadd.s32 $0x4, s26;
	[tilespmem:s0+$0x200] =	vst v19  }
0x168: {  	v19 =	vld [tilespmem:s28+$0xFFFFFFF0];
	p0 =	slt.u32 s26, $0x3C;
	[tilespmem:s0+$0x280] =	vst v20  }
0x169: {  	v20 =	vld [tilespmem:s28+$0x0];
	[tilespmem:s0+$0x300] =	vst v21  }
0x16a: {  	v21 =	vld [tilespmem:s28+$0xFFFFFFE0];
	[tilespmem:s0+$0x380] =	vst v22  }
0x16b: {  	[tilespmem:s0+$0x0] =	vst v4;
	v22 =	vld.idx.msk [tilespmem:v15+s4+$0x0], $0xffff  }
0x16c: {  	v15 =	vadd.s32 v0, v23;
	v24 =	vld.idx.msk [tilespmem:v18+s4+$0x0], $0xffff  }
0x16d: {  	v23 =	vand.u32 $0x7, v23;
	v4 =	vadd.s32 v0, v19;
	v18 =	vand.u32 $0xFFFFFFF8, v15;
	v17 =	vld.idx.msk [tilespmem:v17+s4+$0x0], $0xffff  }
0x16e: {  	v25 =	vand.u32 $0xFFFFFFF8, v4;
	v26 =	vadd.s32 v0, v20;
	v18 =	vor.u32 v23, v18;
	v23 =	vld.idx.msk [tilespmem:v14+s4+$0x0], $0xffff  }
0x16f: {  	v14 =	vadd.s32 v0, v21;
	v27 =	vand.u32 $0xFFFFFFF8, v26;
	v28 =	vadd.s32 $0x380, v18;
	v29 =	vld.idx.msk [tilespmem:v16+s4+$0x0], $0xffff  }
0x170: {  	v21 =	vand.u32 $0x7, v21;
	v30 =	vadd.s32 $0x80, v18;
	v16 =	vand.u32 $0xFFFFFFF8, v14;
	v31 =	vld.idx.msk [tilespmem:v2+s4+$0x0], $0xffff;
	[tilespmem:s24+$0x80] =	vst v9;
	v2 =	vmovc v14  }
0x171: {  	v9 =	vand.u32 $0x7, v19;
	v14 =	vand.u32 $0x7, v20;
	v19 =	vadd.s32 $0x100, v18;
	[tilespmem:s24+$0x100] =	vst v10;
	v32 =	vld.idx.msk [tilespmem:v3+s4+$0x0], $0xffff;
	v3 =	vmovc v26  }
0x172: {  	v10 =	vor.u32 v21, v16;
	v9 =	vor.u32 v9, v25;
	v16 =	vadd.s32 $0x180, v18;
	v4 =	vld.idx.msk [tilespmem:v4+s4+$0x0], $0xffff;
	[tilespmem:s24+$0x180] =	vst v8  }
0x173: {  	v20 =	vor.u32 v14, v27;
	v14 =	vadd.s32 $0x200, v18;
	v8 =	vadd.s32 $0x80, v10;
	v25 =	vld.idx.msk [tilespmem:v15+s4+$0x0], $0xffff;
	[tilespmem:s24+$0x200] =	vst v7  }
0x174: {  	v26 =	vadd.s32 $0x280, v18;
	v21 =	vadd.s32 $0x180, v10;
	v7 =	vadd.s32 $0x100, v10;
	v27 =	vld.idx.msk [tilespmem:v28+s4+$0x0], $0xffff;
	[tilespmem:s24+$0x280] =	vst v6  }
0x175: {  	v33 =	vadd.s32 $0x300, v18;
	v6 =	vadd.s32 $0x200, v10;
	v28 =	vadd.s32 $0x280, v10;
	v30 =	vld.idx.msk [tilespmem:v30+s4+$0x0], $0xffff;
	[tilespmem:s24+$0x300] =	vst v5  }
0x176: {  	s22 =	sadd.s32 $0x200, s22;
	v34 =	vadd.s32 $0x380, v10;
	v35 =	vadd.s32 $0x80, v9;
	v5 =	vadd.s32 $0x300, v10;
	v19 =	vld.idx.msk [tilespmem:v19+s4+$0x0], $0xffff;
	[tilespmem:s24+$0x380] =	vst v11  }
0x177: {  	s23 =	sadd.s32 $0x40, s23;
	s0 =	sand.u32 $0x1C00, s22;
	v36 =	vadd.s32 $0x100, v9;
	v37 =	vadd.s32 $0x180, v9;
	v38 =	vadd.s32 $0x200, v9;
	v39 =	vld.idx.msk [tilespmem:v16+s4+$0x0], $0xffff;
	[tilespmem:s25+$0x80] =	vst v13  }
0x178: {  	s1 =	sadd.s32 $0xFFFFFFD0, s23;
	s2 =	sadd.s32 $0x1800, s0;
	s0 =	sand.u32 $0x70, s23;
	v40 =	vadd.s32 $0x300, v9;
	v41 =	vadd.s32 $0x380, v9;
	v13 =	vadd.s32 $0x280, v9;
	v42 =	vld.idx.msk [tilespmem:v14+s4+$0x0], $0xffff;
	[tilespmem:s25+$0x280] =	vst v17  }
0x179: {  	s15 =	sadd.s32 $0xFFFFFFE0, s23;
	s17 =	sadd.s32 $0xFFFFFFF0, s23;
	s19 =	sor.u32 s0, s2;
	v43 =	vadd.s32 $0x80, v20;
	v44 =	vadd.s32 $0x100, v20;
	v15 =	vadd.s32 $0x180, v20;
	v26 =	vld.idx.msk [tilespmem:v26+s4+$0x0], $0xffff;
	[tilespmem:s25+$0x100] =	vst v12  }
0x17a: {  	s0 =	sand.u32 $0x40, s1;
	s1 =	sand.u32 $0x50, s15;
	s15 =	sand.u32 $0x60, s17;
	v18 =	vadd.s32 $0x200, v20;
	v17 =	vadd.s32 $0x280, v20;
	v14 =	vadd.s32 $0x300, v20;
	v12 =	vld.idx.msk [tilespmem:v33+s4+$0x0], $0xffff;
	[tilespmem:s19+$0x380] =	vst v27  }
0x17b: {  	s17 =	sor.u32 s0, s2;
	s0 =	sor.u32 s1, s2;
	s1 =	sor.u32 s15, s2;
	v16 =	vadd.s32 $0x380, v20;
	v9 =	vld.idx.msk [tilespmem:v8+s4+$0x0], $0xffff;
	[tilespmem:s25+$0x180] =	vst v22  }
0x17c: {  	v10 =	vld.idx.msk [tilespmem:v7+s4+$0x0], $0xffff;
	[tilespmem:s25+$0x200] =	vst v24  }
0x17d: {  	v8 =	vld.idx.msk [tilespmem:v21+s4+$0x0], $0xffff;
	[tilespmem:s25+$0x300] =	vst v23  }
0x17e: {  	v7 =	vld.idx.msk [tilespmem:v6+s4+$0x0], $0xffff;
	[tilespmem:s25+$0x380] =	vst v29  }
0x17f: {  	v6 =	vld.idx.msk [tilespmem:v28+s4+$0x0], $0xffff;
	[tilespmem:s19+$0x80] =	vst v30  }
0x180: {  	v5 =	vld.idx.msk [tilespmem:v5+s4+$0x0], $0xffff;
	[tilespmem:s19+$0x100] =	vst v19  }
0x181: {  	v11 =	vld.idx.msk [tilespmem:v34+s4+$0x0], $0xffff;
	[tilespmem:s19+$0x180] =	vst v39  }
0x182: {  	v23 =	vld.idx.msk [tilespmem:v35+s4+$0x0], $0xffff;
	[tilespmem:s19+$0x200] =	vst v42  }
0x183: {  	v24 =	vld.idx.msk [tilespmem:v36+s4+$0x0], $0xffff;
	[tilespmem:s19+$0x280] =	vst v26  }
0x184: {  	v26 =	vld.idx.msk [tilespmem:v37+s4+$0x0], $0xffff;
	[tilespmem:s19+$0x300] =	vst v12  }
0x185: {  	v19 =	vld.idx.msk [tilespmem:v38+s4+$0x0], $0xffff;
	[tilespmem:s24+$0x0] =	vst v31;
	s24 =	smov.u32 s17  }
.Ltmp4:
0x186: {  	v20 =	vld.idx.msk [tilespmem:v13+s4+$0x0], $0xffff;
	[tilespmem:s25+$0x0] =	vst v32;
	s25 =	smov.u32 s1;
	(pc) =	sbr.rel @p0 .LBB2_10-.Ltmp4, $4  }
0x187: {  	v21 =	vld.idx.msk [tilespmem:v40+s4+$0x0], $0xffff;
	[tilespmem:s19+$0x0] =	vst v25  }
0x188: {  	v22 =	vld.idx.msk [tilespmem:v41+s4+$0x0], $0xffff;
	[tilespmem:s0+$0x80] =	vst v23  }
0x189: {  	[tilespmem:s0+$0x100] =	vst v24;
	v13 =	vld.idx.msk [tilespmem:v43+s4+$0x0], $0xffff  }
0x18a: {  	s28 =	sadd.s32 $0x40, s28;
	[tilespmem:s0+$0x180] =	vst v26;
	v12 =	vld.idx.msk [tilespmem:v44+s4+$0x0], $0xffff  }
0x18b: {  	_ = 	snop  }
0x18c: {  	[tilespmem:s0+$0x200] =	vst v19  }
0x18d: {  	[tilespmem:s0+$0x280] =	vst v20  }
0x18e: {  	[tilespmem:s0+$0x0] =	vst v4  }
0x18f: {  	v2 =	vld.idx.msk [tilespmem:v2+s4+$0x0], $0xffff;
	[tilespmem:s24+$0x80] =	vst v9  }
0x190: {  	[tilespmem:s24+$0x100] =	vst v10  }
0x191: {  	[tilespmem:s24+$0x180] =	vst v8  }
0x192: {  	[tilespmem:s24+$0x200] =	vst v7  }
0x193: {  	v59 =	vld.idx.msk [tilespmem:v15+s4+$0x0], $0xffff;
	[tilespmem:s24+$0x280] =	vst v6  }
0x194: {  	v60 =	vld.idx.msk [tilespmem:v18+s4+$0x0], $0xffff;
	[tilespmem:s24+$0x300] =	vst v5  }
0x195: {  	v61 =	vld.idx.msk [tilespmem:v17+s4+$0x0], $0xffff;
	[tilespmem:s24+$0x380] =	vst v11  }
0x196: {  	v62 =	vld.idx.msk [tilespmem:v14+s4+$0x0], $0xffff;
	[tilespmem:s0+$0x300] =	vst v21  }
0x197: {  	v63 =	vld.idx.msk [tilespmem:v16+s4+$0x0], $0xffff;
	[tilespmem:s0+$0x380] =	vst v22  }
0x198: {  	v3 =	vld.idx.msk [tilespmem:v3+s4+$0x0], $0xffff;
	[tilespmem:s25+$0x80] =	vst v13  }
0x199: {  	[tilespmem:s25+$0x100] =	vst v12  }
0x19a: {  	[tilespmem:s25+$0x280] =	vst v61  }
0x19b: {  	[tilespmem:s25+$0x180] =	vst v59  }
0x19c: {  	[tilespmem:s25+$0x200] =	vst v60  }
0x19d: {  	[tilespmem:s25+$0x300] =	vst v62  }
0x19e: {  	[tilespmem:s25+$0x380] =	vst v63  }
0x19f: {  	[tilespmem:s24+$0x0] =	vst v2  }
0x1a0: {  	s21 =	sadd.s32 $0x1, s21;
	[tilespmem:s25+$0x0] =	vst v3  }
0x1a1: {  	[hbm4b:s12+s4] =	stream.linear.scatter [tilespmem:s18], [sflag:$0x2], $0x2000, $0x38;
	[tilespmem:$0x5800] =	vst v63  }
0x1a2: {  	p0 =	sne.s32 s21, s13;
	_ =	swait.ge [sflag:s20], $0x2000  }
.Ltmp5:
0x1a3: {  	[sflag:s20] =	ssyncset.done $0x0;
	(pc) =	sbr.rel @p0 .LBB2_1-.Ltmp5, $4  }
0x1a4: {  	[sflag:s20] =	ssyncadd.s32 $0xFFFFE000  }
0x1a5: {  	_ =	swait.ge [sflag:s20], $0x2000  }
0x1a6: {  	[sflag:s20] =	ssyncset.done $0x0  }
0x1a7: {  	s15 =	simm.s32 $0x1000;
	[sflag:s20] =	ssyncadd.s32 $0xFFFFE000  }
0x1a8: {  	_ =	sfence.sel $0x180000  }
0x1a9: {  	[bflag:$0x0] =	sbarrier.arrive $0xFFFF  }
0x1aa: {  	_ =	strace $0x90000047  }
0x1ab: {  	s0 =	stileid.u32;
	[bflag:$0x2] =	sbarrier.arrive $0xFFFF  }
0x1ac: {  	p0 =	sne.s32 s0, $0x0;
	s0 =	rddreg [dreg:$0x3]  }
0x1ad: {  	s0 =	sadd.s32 @!p0 $0x100000, s0  }
0x1ae: {  	[sflag:s0] =	ssyncadd.tile.s32 @!p0 $0x1;
	_ =	shalt  }
.Lfunc_end2:
_tile_overlayer_lowered:
.L_overlay_start_2:
0x1af: {  	(tag) =	ssettag $0x2  }
0x1b0: {  	s0 =	rddreg [dreg:$0x0];
	s2 =	stileid.u32  }
0x1b1: {  	s1 =	rddreg [dreg:$0x1];
	p0 =	sne.s32 s2, $0x0  }
0x1b2: {  	s3 =	rddreg [dreg:$0x2];
	[bflag:$0x3] =	sbarrier.arrive $0xFFFF;
	s2 =	simm.s32 @!p0 $0x1C03  }
0x1b3: {  	[timem:s3], [sflag:s2] =	dma.local @!p0 [hbm:s0], s1  }
0x1b4: {  	s0 =	simm.s32 @!p0 $0x3  }
0x1b5: {  	_ =	swait.ge @!p0 [sflag:s0], s1  }
0x1b6: {  	s1 =	ssub.s32 @!p0 $0x0, s1;
	[sflag:s0] =	ssyncset.done @!p0 $0x0  }
0x1b7: {  	[sflag:s0] =	ssyncadd.s32 @!p0 s1  }
0x1b8: {  	[bflag:$0x3] =	sbarrier.arrive $0xFFFF  }
0x1b9: {  	_ =	shalt  }

</sc_bundles>
